<compile_context>
chip_gen: v7x
topology: tpu7x:2x2x1
jax: 0.10.2.dev20260603
libtpu: 0.0.44.dev20260713+nightly
codegen_flags: <defaults>
</compile_context>

<pallas_src>
import jax
import jax.numpy as jnp
from jax import lax
from jax.experimental import pallas as pl
from jax.experimental.pallas import tpu as pltpu
from jax.experimental.pallas import tpu_sc as plsc

N_FIELDS = 26
VOCAB = 100000
N_EMBD = 32
BATCH = 4096

NC = 2
NS = 16
NW = NC * NS
BPW = BATCH // NW
LANES = 16


def _body(idx_hbm, table_hbm, out_hbm, idx_v, rows_v, out_v, sem):
    cid = lax.axis_index("c")
    sid = lax.axis_index("s")
    wid = sid * NC + cid
    base = wid * BPW

    pltpu.sync_copy(idx_hbm.at[:, pl.ds(base, BPW)], idx_v)

    copies = []
    for f in range(N_FIELDS):
        cp = pltpu.make_async_copy(
            table_hbm.at[f].at[idx_v.at[f]], rows_v.at[f], sem
        )
        cp.start()
        copies.append(cp)
    for cp in copies:
        cp.wait()

    def body_j(j, carry):
        for d in (0, LANES):
            acc = rows_v[0, j, pl.ds(d, LANES)]
            for f in range(1, N_FIELDS):
                acc = acc + rows_v[f, j, pl.ds(d, LANES)]
            out_v[j, pl.ds(d, LANES)] = acc
        return carry

    lax.fori_loop(0, BPW, body_j, 0)

    pltpu.sync_copy(out_v, out_hbm.at[pl.ds(base, BPW)])


@jax.jit
def kernel(latents, tables):
    idx = latents.astype(jnp.int32).T

    mesh = plsc.VectorSubcoreMesh(
        core_axis_name="c", subcore_axis_name="s", num_cores=NC, num_subcores=NS
    )
    run = pl.kernel(
        _body,
        out_type=jax.ShapeDtypeStruct((BATCH, N_EMBD), jnp.float32),
        mesh=mesh,
        scratch_types=[
            pltpu.VMEM((N_FIELDS, BPW), jnp.int32),
            pltpu.VMEM((N_FIELDS, BPW, N_EMBD), jnp.float32),
            pltpu.VMEM((BPW, N_EMBD), jnp.float32),
            pltpu.SemaphoreType.DMA,
        ],
        compiler_params=pltpu.CompilerParams(use_tc_tiling_on_sc=False),
    )
    return run(idx, tables)

# --- scband reference (transcript-rebuilt; emitter-appended) ---
"""Pipeline reference for scband-known-encoder-32083405701383 (READ-ONLY COPY).

The authoritative reference and input builder live on the scoring server;
editing this copy changes nothing except your own understanding.
"""

import jax, jax.numpy as jnp
import numpy as np

N_FIELDS = 26
VOCAB = 100000
N_EMBD = 32
BATCH = 4096

def setup_inputs(seed: int = 0) -> dict:
    key = jax.random.key(seed)
    k_idx, k_tab = jax.random.split(key)
    latents = jax.random.randint(k_idx, (BATCH, N_FIELDS), 0, VOCAB, dtype=jnp.int64 if jax.config.jax_enable_x64 else jnp.int32)
    # 26 embedding tables, all with same vocab size -> stack into [26, V, D]
    tables = jax.random.normal(k_tab, (N_FIELDS, VOCAB, N_EMBD), dtype=jnp.float32) * 0.02
    return {"latents": latents, "tables": tables}

def reference(latents, tables):
    # torch: stack([embeds[i](latents[:, i]) for i]).sum(0)
    # gathered[i] = tables[i][latents[:, i]] -> [N_FIELDS, B, D]
    gathered = jax.vmap(lambda t, idx: jnp.take(t, idx, axis=0), in_axes=(0, 1))(tables, latents)
    out = gathered.sum(axis=0)  # [B, D]
    return out

if __name__ == "__main__":
    import jax
    _d = setup_inputs()
    print(jax.jit(kernel)(*tuple(_d.values())))

</pallas_src>

<mosaic_0001>
#map = affine_map<(d0, d1) -> (0, 0)>
#map1 = affine_map<(d0, d1) -> (0, 0, 0)>
module attributes {stable_mosaic.version = 14 : i64} {
  func.func @_body(%arg0: i32, %arg1: i32, %arg2: memref<26x4096xi32, #tpu.memory_space<hbm>>, %arg3: memref<26x100000x32xf32, #tpu.memory_space<hbm>>, %arg4: memref<4096x32xf32, #tpu.memory_space<hbm>>, %arg5: memref<26x128xi32, #tpu.memory_space<vmem>>, %arg6: memref<26x128x32xf32, #tpu.memory_space<vmem>>, %arg7: memref<128x32xf32, #tpu.memory_space<vmem>>, %arg8: memref<!tpu.dma_semaphore, #tpu.memory_space<semaphore_mem>>) attributes {dimension_semantics = [#tpu.dimension_semantics<core_parallel>, #tpu.dimension_semantics<subcore_parallel>], iteration_bounds = array<i64: 2, 16>, scalar_prefetch = 0 : i64, scratch_operands = 4 : i64, tpu.core_type = #tpu.core_type<sc_vector_subcore>, window_params = [{transform_indices = #map}, {transform_indices = #map1}, {transform_indices = #map}]} {
    %mul3A = arith.constant 2 : i32
    %mul3A_0 = arith.muli %arg1, %mul3A : i32
    %add3A = arith.addi %mul3A_0, %arg0 : i32
    %mul3A_1 = arith.constant 128 : i32
    %mul3A_2 = arith.muli %add3A, %mul3A_1 : i32
    "tpu.region"() ({
      %run_scoped3A = tpu.sem_alloc : memref<!tpu.dma_semaphore, #tpu.memory_space<semaphore_mem>>
      %dma_start3A_890 = arith.constant 0 : i32
      %dma_start3A_891 = tpu.memref_slice %arg2[%dma_start3A_890, %mul3A_2] : memref<26x4096xi32, #tpu.memory_space<hbm>> -> memref<26x128xi32, #tpu.memory_space<hbm>>
      %dma_start3A_892 = arith.constant 0 : i32
      %dma_start3A_893 = tpu.memref_slice %arg2[%dma_start3A_892, %mul3A_2] : memref<26x4096xi32, #tpu.memory_space<hbm>> -> memref<26x128xi32, #tpu.memory_space<hbm>>
      tpu.enqueue_dma source(%dma_start3A_893 : memref<26x128xi32, #tpu.memory_space<hbm>>) target(%arg5 : memref<26x128xi32, #tpu.memory_space<vmem>>) target_semaphore(%run_scoped3A : memref<!tpu.dma_semaphore, #tpu.memory_space<semaphore_mem>>)
      %dma_wait3A_894 = arith.constant 0 : i32
      %dma_wait3A_895 = tpu.memref_slice %arg2[%dma_wait3A_894, %mul3A_2] : memref<26x4096xi32, #tpu.memory_space<hbm>> -> memref<26x128xi32, #tpu.memory_space<hbm>>
      %dma_wait3A_896 = arith.constant 0 : i32
      %dma_wait3A_897 = tpu.memref_slice %arg2[%dma_wait3A_896, %mul3A_2] : memref<26x4096xi32, #tpu.memory_space<hbm>> -> memref<26x128xi32, #tpu.memory_space<hbm>>
      tpu.wait_dma2 semaphore(%run_scoped3A : memref<!tpu.dma_semaphore, #tpu.memory_space<semaphore_mem>>) src(%dma_wait3A_897 : memref<26x128xi32, #tpu.memory_space<hbm>>) dst(%arg5 : memref<26x128xi32, #tpu.memory_space<vmem>>)
      tpu.yield
    }) : () -> ()
    %dma_start3A = arith.constant 0 : i32
    %dma_start3A_3 = arith.constant 0 : i32
    %dma_start3A_4 = arith.constant 0 : i32
    %dma_start3A_5 = arith.constant 0 : i32
    %dma_start3A_6 = arith.constant 0 : i32
    %dma_start3A_7 = tpu.memref_slice %arg6[%dma_start3A_4, %dma_start3A_5, %dma_start3A_6] : memref<26x128x32xf32, #tpu.memory_space<vmem>> -> memref<1x128x32xf32, #tpu.memory_space<vmem>>
    %dma_start3A_8 = tpu.memref_squeeze %dma_start3A_7 : memref<1x128x32xf32, #tpu.memory_space<vmem>> -> memref<128x32xf32, #tpu.memory_space<vmem>>
    %dma_start3A_9 = arith.constant 0 : i32
    %dma_start3A_10 = tpu.memref_slice %arg5[%dma_start3A_3, %dma_start3A_9] : memref<26x128xi32, #tpu.memory_space<vmem>> -> memref<1x128xi32, #tpu.memory_space<vmem>>
    %dma_start3A_11 = tpu.memref_squeeze %dma_start3A_10 : memref<1x128xi32, #tpu.memory_space<vmem>> -> memref<128xi32, #tpu.memory_space<vmem>>
    %dma_start3A_12 = arith.constant 0 : i32
    %dma_start3A_13 = arith.constant 0 : i32
    %dma_start3A_14 = tpu.memref_slice %arg3[%dma_start3A, %dma_start3A_12, %dma_start3A_13] : memref<26x100000x32xf32, #tpu.memory_space<hbm>> -> memref<1x100000x32xf32, #tpu.memory_space<hbm>>
    %dma_start3A_15 = tpu.memref_squeeze %dma_start3A_14 : memref<1x100000x32xf32, #tpu.memory_space<hbm>> -> memref<100000x32xf32, #tpu.memory_space<hbm>>
    %dma_start3A_16 = arith.constant 0 : i32
    %dma_start3A_17 = arith.constant 0 : i32
    %dma_start3A_18 = tpu.memref_slice %dma_start3A_15[%dma_start3A_16, %dma_start3A_17] : memref<100000x32xf32, #tpu.memory_space<hbm>> -> memref<100000x32xf32, #tpu.memory_space<hbm>>
    tpu.enqueue_indirect_dma source(%dma_start3A_18 : memref<100000x32xf32, #tpu.memory_space<hbm>>) target(%dma_start3A_8 : memref<128x32xf32, #tpu.memory_space<vmem>>) offsets(%dma_start3A_11 : memref<128xi32, #tpu.memory_space<vmem>>) semaphore(%arg8 : memref<!tpu.dma_semaphore, #tpu.memory_space<semaphore_mem>>)
    %dma_start3A_19 = arith.constant 1 : i32
    %dma_start3A_20 = arith.constant 1 : i32
    %dma_start3A_21 = arith.constant 1 : i32
    %dma_start3A_22 = arith.constant 0 : i32
    %dma_start3A_23 = arith.constant 0 : i32
    %dma_start3A_24 = tpu.memref_slice %arg6[%dma_start3A_21, %dma_start3A_22, %dma_start3A_23] : memref<26x128x32xf32, #tpu.memory_space<vmem>> -> memref<1x128x32xf32, #tpu.memory_space<vmem>>
    %dma_start3A_25 = tpu.memref_squeeze %dma_start3A_24 : memref<1x128x32xf32, #tpu.memory_space<vmem>> -> memref<128x32xf32, #tpu.memory_space<vmem>>
    %dma_start3A_26 = arith.constant 0 : i32
    %dma_start3A_27 = tpu.memref_slice %arg5[%dma_start3A_20, %dma_start3A_26] : memref<26x128xi32, #tpu.memory_space<vmem>> -> memref<1x128xi32, #tpu.memory_space<vmem>>
    %dma_start3A_28 = tpu.memref_squeeze %dma_start3A_27 : memref<1x128xi32, #tpu.memory_space<vmem>> -> memref<128xi32, #tpu.memory_space<vmem>>
    %dma_start3A_29 = arith.constant 0 : i32
    %dma_start3A_30 = arith.constant 0 : i32
    %dma_start3A_31 = tpu.memref_slice %arg3[%dma_start3A_19, %dma_start3A_29, %dma_start3A_30] : memref<26x100000x32xf32, #tpu.memory_space<hbm>> -> memref<1x100000x32xf32, #tpu.memory_space<hbm>>
    %dma_start3A_32 = tpu.memref_squeeze %dma_start3A_31 : memref<1x100000x32xf32, #tpu.memory_space<hbm>> -> memref<100000x32xf32, #tpu.memory_space<hbm>>
    %dma_start3A_33 = arith.constant 0 : i32
    %dma_start3A_34 = arith.constant 0 : i32
    %dma_start3A_35 = tpu.memref_slice %dma_start3A_32[%dma_start3A_33, %dma_start3A_34] : memref<100000x32xf32, #tpu.memory_space<hbm>> -> memref<100000x32xf32, #tpu.memory_space<hbm>>
    tpu.enqueue_indirect_dma source(%dma_start3A_35 : memref<100000x32xf32, #tpu.memory_space<hbm>>) target(%dma_start3A_25 : memref<128x32xf32, #tpu.memory_space<vmem>>) offsets(%dma_start3A_28 : memref<128xi32, #tpu.memory_space<vmem>>) semaphore(%arg8 : memref<!tpu.dma_semaphore, #tpu.memory_space<semaphore_mem>>)
    %dma_start3A_36 = arith.constant 2 : i32
    %dma_start3A_37 = arith.constant 2 : i32
    %dma_start3A_38 = arith.constant 2 : i32
    %dma_start3A_39 = arith.constant 0 : i32
    %dma_start3A_40 = arith.constant 0 : i32
    %dma_start3A_41 = tpu.memref_slice %arg6[%dma_start3A_38, %dma_start3A_39, %dma_start3A_40] : memref<26x128x32xf32, #tpu.memory_space<vmem>> -> memref<1x128x32xf32, #tpu.memory_space<vmem>>
    %dma_start3A_42 = tpu.memref_squeeze %dma_start3A_41 : memref<1x128x32xf32, #tpu.memory_space<vmem>> -> memref<128x32xf32, #tpu.memory_space<vmem>>
    %dma_start3A_43 = arith.constant 0 : i32
    %dma_start3A_44 = tpu.memref_slice %arg5[%dma_start3A_37, %dma_start3A_43] : memref<26x128xi32, #tpu.memory_space<vmem>> -> memref<1x128xi32, #tpu.memory_space<vmem>>
    %dma_start3A_45 = tpu.memref_squeeze %dma_start3A_44 : memref<1x128xi32, #tpu.memory_space<vmem>> -> memref<128xi32, #tpu.memory_space<vmem>>
    %dma_start3A_46 = arith.constant 0 : i32
    %dma_start3A_47 = arith.constant 0 : i32
    %dma_start3A_48 = tpu.memref_slice %arg3[%dma_start3A_36, %dma_start3A_46, %dma_start3A_47] : memref<26x100000x32xf32, #tpu.memory_space<hbm>> -> memref<1x100000x32xf32, #tpu.memory_space<hbm>>
    %dma_start3A_49 = tpu.memref_squeeze %dma_start3A_48 : memref<1x100000x32xf32, #tpu.memory_space<hbm>> -> memref<100000x32xf32, #tpu.memory_space<hbm>>
    %dma_start3A_50 = arith.constant 0 : i32
    %dma_start3A_51 = arith.constant 0 : i32
    %dma_start3A_52 = tpu.memref_slice %dma_start3A_49[%dma_start3A_50, %dma_start3A_51] : memref<100000x32xf32, #tpu.memory_space<hbm>> -> memref<100000x32xf32, #tpu.memory_space<hbm>>
    tpu.enqueue_indirect_dma source(%dma_start3A_52 : memref<100000x32xf32, #tpu.memory_space<hbm>>) target(%dma_start3A_42 : memref<128x32xf32, #tpu.memory_space<vmem>>) offsets(%dma_start3A_45 : memref<128xi32, #tpu.memory_space<vmem>>) semaphore(%arg8 : memref<!tpu.dma_semaphore, #tpu.memory_space<semaphore_mem>>)
    %dma_start3A_53 = arith.constant 3 : i32
    %dma_start3A_54 = arith.constant 3 : i32
    %dma_start3A_55 = arith.constant 3 : i32
    %dma_start3A_56 = arith.constant 0 : i32
    %dma_start3A_57 = arith.constant 0 : i32
    %dma_start3A_58 = tpu.memref_slice %arg6[%dma_start3A_55, %dma_start3A_56, %dma_start3A_57] : memref<26x128x32xf32, #tpu.memory_space<vmem>> -> memref<1x128x32xf32, #tpu.memory_space<vmem>>
    %dma_start3A_59 = tpu.memref_squeeze %dma_start3A_58 : memref<1x128x32xf32, #tpu.memory_space<vmem>> -> memref<128x32xf32, #tpu.memory_space<vmem>>
    %dma_start3A_60 = arith.constant 0 : i32
    %dma_start3A_61 = tpu.memref_slice %arg5[%dma_start3A_54, %dma_start3A_60] : memref<26x128xi32, #tpu.memory_space<vmem>> -> memref<1x128xi32, #tpu.memory_space<vmem>>
    %dma_start3A_62 = tpu.memref_squeeze %dma_start3A_61 : memref<1x128xi32, #tpu.memory_space<vmem>> -> memref<128xi32, #tpu.memory_space<vmem>>
    %dma_start3A_63 = arith.constant 0 : i32
    %dma_start3A_64 = arith.constant 0 : i32
    %dma_start3A_65 = tpu.memref_slice %arg3[%dma_start3A_53, %dma_start3A_63, %dma_start3A_64] : memref<26x100000x32xf32, #tpu.memory_space<hbm>> -> memref<1x100000x32xf32, #tpu.memory_space<hbm>>
    %dma_start3A_66 = tpu.memref_squeeze %dma_start3A_65 : memref<1x100000x32xf32, #tpu.memory_space<hbm>> -> memref<100000x32xf32, #tpu.memory_space<hbm>>
    %dma_start3A_67 = arith.constant 0 : i32
    %dma_start3A_68 = arith.constant 0 : i32
    %dma_start3A_69 = tpu.memref_slice %dma_start3A_66[%dma_start3A_67, %dma_start3A_68] : memref<100000x32xf32, #tpu.memory_space<hbm>> -> memref<100000x32xf32, #tpu.memory_space<hbm>>
    tpu.enqueue_indirect_dma source(%dma_start3A_69 : memref<100000x32xf32, #tpu.memory_space<hbm>>) target(%dma_start3A_59 : memref<128x32xf32, #tpu.memory_space<vmem>>) offsets(%dma_start3A_62 : memref<128xi32, #tpu.memory_space<vmem>>) semaphore(%arg8 : memref<!tpu.dma_semaphore, #tpu.memory_space<semaphore_mem>>)
    %dma_start3A_70 = arith.constant 4 : i32
    %dma_start3A_71 = arith.constant 4 : i32
    %dma_start3A_72 = arith.constant 4 : i32
    %dma_start3A_73 = arith.constant 0 : i32
    %dma_start3A_74 = arith.constant 0 : i32
    %dma_start3A_75 = tpu.memref_slice %arg6[%dma_start3A_72, %dma_start3A_73, %dma_start3A_74] : memref<26x128x32xf32, #tpu.memory_space<vmem>> -> memref<1x128x32xf32, #tpu.memory_space<vmem>>
    %dma_start3A_76 = tpu.memref_squeeze %dma_start3A_75 : memref<1x128x32xf32, #tpu.memory_space<vmem>> -> memref<128x32xf32, #tpu.memory_space<vmem>>
    %dma_start3A_77 = arith.constant 0 : i32
    %dma_start3A_78 = tpu.memref_slice %arg5[%dma_start3A_71, %dma_start3A_77] : memref<26x128xi32, #tpu.memory_space<vmem>> -> memref<1x128xi32, #tpu.memory_space<vmem>>
    %dma_start3A_79 = tpu.memref_squeeze %dma_start3A_78 : memref<1x128xi32, #tpu.memory_space<vmem>> -> memref<128xi32, #tpu.memory_space<vmem>>
    %dma_start3A_80 = arith.constant 0 : i32
    %dma_start3A_81 = arith.constant 0 : i32
    %dma_start3A_82 = tpu.memref_slice %arg3[%dma_start3A_70, %dma_start3A_80, %dma_start3A_81] : memref<26x100000x32xf32, #tpu.memory_space<hbm>> -> memref<1x100000x32xf32, #tpu.memory_space<hbm>>
    %dma_start3A_83 = tpu.memref_squeeze %dma_start3A_82 : memref<1x100000x32xf32, #tpu.memory_space<hbm>> -> memref<100000x32xf32, #tpu.memory_space<hbm>>
    %dma_start3A_84 = arith.constant 0 : i32
    %dma_start3A_85 = arith.constant 0 : i32
    %dma_start3A_86 = tpu.memref_slice %dma_start3A_83[%dma_start3A_84, %dma_start3A_85] : memref<100000x32xf32, #tpu.memory_space<hbm>> -> memref<100000x32xf32, #tpu.memory_space<hbm>>
    tpu.enqueue_indirect_dma source(%dma_start3A_86 : memref<100000x32xf32, #tpu.memory_space<hbm>>) target(%dma_start3A_76 : memref<128x32xf32, #tpu.memory_space<vmem>>) offsets(%dma_start3A_79 : memref<128xi32, #tpu.memory_space<vmem>>) semaphore(%arg8 : memref<!tpu.dma_semaphore, #tpu.memory_space<semaphore_mem>>)
    %dma_start3A_87 = arith.constant 5 : i32
    %dma_start3A_88 = arith.constant 5 : i32
    %dma_start3A_89 = arith.constant 5 : i32
    %dma_start3A_90 = arith.constant 0 : i32
    %dma_start3A_91 = arith.constant 0 : i32
    %dma_start3A_92 = tpu.memref_slice %arg6[%dma_start3A_89, %dma_start3A_90, %dma_start3A_91] : memref<26x128x32xf32, #tpu.memory_space<vmem>> -> memref<1x128x32xf32, #tpu.memory_space<vmem>>
    %dma_start3A_93 = tpu.memref_squeeze %dma_start3A_92 : memref<1x128x32xf32, #tpu.memory_space<vmem>> -> memref<128x32xf32, #tpu.memory_space<vmem>>
    %dma_start3A_94 = arith.constant 0 : i32
    %dma_start3A_95 = tpu.memref_slice %arg5[%dma_start3A_88, %dma_start3A_94] : memref<26x128xi32, #tpu.memory_space<vmem>> -> memref<1x128xi32, #tpu.memory_space<vmem>>
    %dma_start3A_96 = tpu.memref_squeeze %dma_start3A_95 : memref<1x128xi32, #tpu.memory_space<vmem>> -> memref<128xi32, #tpu.memory_space<vmem>>
    %dma_start3A_97 = arith.constant 0 : i32
    %dma_start3A_98 = arith.constant 0 : i32
    %dma_start3A_99 = tpu.memref_slice %arg3[%dma_start3A_87, %dma_start3A_97, %dma_start3A_98] : memref<26x100000x32xf32, #tpu.memory_space<hbm>> -> memref<1x100000x32xf32, #tpu.memory_space<hbm>>
    %dma_start3A_100 = tpu.memref_squeeze %dma_start3A_99 : memref<1x100000x32xf32, #tpu.memory_space<hbm>> -> memref<100000x32xf32, #tpu.memory_space<hbm>>
    %dma_start3A_101 = arith.constant 0 : i32
    %dma_start3A_102 = arith.constant 0 : i32
    %dma_start3A_103 = tpu.memref_slice %dma_start3A_100[%dma_start3A_101, %dma_start3A_102] : memref<100000x32xf32, #tpu.memory_space<hbm>> -> memref<100000x32xf32, #tpu.memory_space<hbm>>
    tpu.enqueue_indirect_dma source(%dma_start3A_103 : memref<100000x32xf32, #tpu.memory_space<hbm>>) target(%dma_start3A_93 : memref<128x32xf32, #tpu.memory_space<vmem>>) offsets(%dma_start3A_96 : memref<128xi32, #tpu.memory_space<vmem>>) semaphore(%arg8 : memref<!tpu.dma_semaphore, #tpu.memory_space<semaphore_mem>>)
    %dma_start3A_104 = arith.constant 6 : i32
    %dma_start3A_105 = arith.constant 6 : i32
    %dma_start3A_106 = arith.constant 6 : i32
    %dma_start3A_107 = arith.constant 0 : i32
    %dma_start3A_108 = arith.constant 0 : i32
    %dma_start3A_109 = tpu.memref_slice %arg6[%dma_start3A_106, %dma_start3A_107, %dma_start3A_108] : memref<26x128x32xf32, #tpu.memory_space<vmem>> -> memref<1x128x32xf32, #tpu.memory_space<vmem>>
    %dma_start3A_110 = tpu.memref_squeeze %dma_start3A_109 : memref<1x128x32xf32, #tpu.memory_space<vmem>> -> memref<128x32xf32, #tpu.memory_space<vmem>>
    %dma_start3A_111 = arith.constant 0 : i32
    %dma_start3A_112 = tpu.memref_slice %arg5[%dma_start3A_105, %dma_start3A_111] : memref<26x128xi32, #tpu.memory_space<vmem>> -> memref<1x128xi32, #tpu.memory_space<vmem>>
    %dma_start3A_113 = tpu.memref_squeeze %dma_start3A_112 : memref<1x128xi32, #tpu.memory_space<vmem>> -> memref<128xi32, #tpu.memory_space<vmem>>
    %dma_start3A_114 = arith.constant 0 : i32
    %dma_start3A_115 = arith.constant 0 : i32
    %dma_start3A_116 = tpu.memref_slice %arg3[%dma_start3A_104, %dma_start3A_114, %dma_start3A_115] : memref<26x100000x32xf32, #tpu.memory_space<hbm>> -> memref<1x100000x32xf32, #tpu.memory_space<hbm>>
    %dma_start3A_117 = tpu.memref_squeeze %dma_start3A_116 : memref<1x100000x32xf32, #tpu.memory_space<hbm>> -> memref<100000x32xf32, #tpu.memory_space<hbm>>
    %dma_start3A_118 = arith.constant 0 : i32
    %dma_start3A_119 = arith.constant 0 : i32
    %dma_start3A_120 = tpu.memref_slice %dma_start3A_117[%dma_start3A_118, %dma_start3A_119] : memref<100000x32xf32, #tpu.memory_space<hbm>> -> memref<100000x32xf32, #tpu.memory_space<hbm>>
    tpu.enqueue_indirect_dma source(%dma_start3A_120 : memref<100000x32xf32, #tpu.memory_space<hbm>>) target(%dma_start3A_110 : memref<128x32xf32, #tpu.memory_space<vmem>>) offsets(%dma_start3A_113 : memref<128xi32, #tpu.memory_space<vmem>>) semaphore(%arg8 : memref<!tpu.dma_semaphore, #tpu.memory_space<semaphore_mem>>)
    %dma_start3A_121 = arith.constant 7 : i32
    %dma_start3A_122 = arith.constant 7 : i32
    %dma_start3A_123 = arith.constant 7 : i32
    %dma_start3A_124 = arith.constant 0 : i32
    %dma_start3A_125 = arith.constant 0 : i32
    %dma_start3A_126 = tpu.memref_slice %arg6[%dma_start3A_123, %dma_start3A_124, %dma_start3A_125] : memref<26x128x32xf32, #tpu.memory_space<vmem>> -> memref<1x128x32xf32, #tpu.memory_space<vmem>>
    %dma_start3A_127 = tpu.memref_squeeze %dma_start3A_126 : memref<1x128x32xf32, #tpu.memory_space<vmem>> -> memref<128x32xf32, #tpu.memory_space<vmem>>
    %dma_start3A_128 = arith.constant 0 : i32
    %dma_start3A_129 = tpu.memref_slice %arg5[%dma_start3A_122, %dma_start3A_128] : memref<26x128xi32, #tpu.memory_space<vmem>> -> memref<1x128xi32, #tpu.memory_space<vmem>>
    %dma_start3A_130 = tpu.memref_squeeze %dma_start3A_129 : memref<1x128xi32, #tpu.memory_space<vmem>> -> memref<128xi32, #tpu.memory_space<vmem>>
    %dma_start3A_131 = arith.constant 0 : i32
    %dma_start3A_132 = arith.constant 0 : i32
    %dma_start3A_133 = tpu.memref_slice %arg3[%dma_start3A_121, %dma_start3A_131, %dma_start3A_132] : memref<26x100000x32xf32, #tpu.memory_space<hbm>> -> memref<1x100000x32xf32, #tpu.memory_space<hbm>>
    %dma_start3A_134 = tpu.memref_squeeze %dma_start3A_133 : memref<1x100000x32xf32, #tpu.memory_space<hbm>> -> memref<100000x32xf32, #tpu.memory_space<hbm>>
    %dma_start3A_135 = arith.constant 0 : i32
    %dma_start3A_136 = arith.constant 0 : i32
    %dma_start3A_137 = tpu.memref_slice %dma_start3A_134[%dma_start3A_135, %dma_start3A_136] : memref<100000x32xf32, #tpu.memory_space<hbm>> -> memref<100000x32xf32, #tpu.memory_space<hbm>>
    tpu.enqueue_indirect_dma source(%dma_start3A_137 : memref<100000x32xf32, #tpu.memory_space<hbm>>) target(%dma_start3A_127 : memref<128x32xf32, #tpu.memory_space<vmem>>) offsets(%dma_start3A_130 : memref<128xi32, #tpu.memory_space<vmem>>) semaphore(%arg8 : memref<!tpu.dma_semaphore, #tpu.memory_space<semaphore_mem>>)
    %dma_start3A_138 = arith.constant 8 : i32
    %dma_start3A_139 = arith.constant 8 : i32
    %dma_start3A_140 = arith.constant 8 : i32
    %dma_start3A_141 = arith.constant 0 : i32
    %dma_start3A_142 = arith.constant 0 : i32
    %dma_start3A_143 = tpu.memref_slice %arg6[%dma_start3A_140, %dma_start3A_141, %dma_start3A_142] : memref<26x128x32xf32, #tpu.memory_space<vmem>> -> memref<1x128x32xf32, #tpu.memory_space<vmem>>
    %dma_start3A_144 = tpu.memref_squeeze %dma_start3A_143 : memref<1x128x32xf32, #tpu.memory_space<vmem>> -> memref<128x32xf32, #tpu.memory_space<vmem>>
    %dma_start3A_145 = arith.constant 0 : i32
    %dma_start3A_146 = tpu.memref_slice %arg5[%dma_start3A_139, %dma_start3A_145] : memref<26x128xi32, #tpu.memory_space<vmem>> -> memref<1x128xi32, #tpu.memory_space<vmem>>
    %dma_start3A_147 = tpu.memref_squeeze %dma_start3A_146 : memref<1x128xi32, #tpu.memory_space<vmem>> -> memref<128xi32, #tpu.memory_space<vmem>>
    %dma_start3A_148 = arith.constant 0 : i32
    %dma_start3A_149 = arith.constant 0 : i32
    %dma_start3A_150 = tpu.memref_slice %arg3[%dma_start3A_138, %dma_start3A_148, %dma_start3A_149] : memref<26x100000x32xf32, #tpu.memory_space<hbm>> -> memref<1x100000x32xf32, #tpu.memory_space<hbm>>
    %dma_start3A_151 = tpu.memref_squeeze %dma_start3A_150 : memref<1x100000x32xf32, #tpu.memory_space<hbm>> -> memref<100000x32xf32, #tpu.memory_space<hbm>>
    %dma_start3A_152 = arith.constant 0 : i32
    %dma_start3A_153 = arith.constant 0 : i32
    %dma_start3A_154 = tpu.memref_slice %dma_start3A_151[%dma_start3A_152, %dma_start3A_153] : memref<100000x32xf32, #tpu.memory_space<hbm>> -> memref<100000x32xf32, #tpu.memory_space<hbm>>
    tpu.enqueue_indirect_dma source(%dma_start3A_154 : memref<100000x32xf32, #tpu.memory_space<hbm>>) target(%dma_start3A_144 : memref<128x32xf32, #tpu.memory_space<vmem>>) offsets(%dma_start3A_147 : memref<128xi32, #tpu.memory_space<vmem>>) semaphore(%arg8 : memref<!tpu.dma_semaphore, #tpu.memory_space<semaphore_mem>>)
    %dma_start3A_155 = arith.constant 9 : i32
    %dma_start3A_156 = arith.constant 9 : i32
    %dma_start3A_157 = arith.constant 9 : i32
    %dma_start3A_158 = arith.constant 0 : i32
    %dma_start3A_159 = arith.constant 0 : i32
    %dma_start3A_160 = tpu.memref_slice %arg6[%dma_start3A_157, %dma_start3A_158, %dma_start3A_159] : memref<26x128x32xf32, #tpu.memory_space<vmem>> -> memref<1x128x32xf32, #tpu.memory_space<vmem>>
    %dma_start3A_161 = tpu.memref_squeeze %dma_start3A_160 : memref<1x128x32xf32, #tpu.memory_space<vmem>> -> memref<128x32xf32, #tpu.memory_space<vmem>>
    %dma_start3A_162 = arith.constant 0 : i32
    %dma_start3A_163 = tpu.memref_slice %arg5[%dma_start3A_156, %dma_start3A_162] : memref<26x128xi32, #tpu.memory_space<vmem>> -> memref<1x128xi32, #tpu.memory_space<vmem>>
    %dma_start3A_164 = tpu.memref_squeeze %dma_start3A_163 : memref<1x128xi32, #tpu.memory_space<vmem>> -> memref<128xi32, #tpu.memory_space<vmem>>
    %dma_start3A_165 = arith.constant 0 : i32
    %dma_start3A_166 = arith.constant 0 : i32
    %dma_start3A_167 = tpu.memref_slice %arg3[%dma_start3A_155, %dma_start3A_165, %dma_start3A_166] : memref<26x100000x32xf32, #tpu.memory_space<hbm>> -> memref<1x100000x32xf32, #tpu.memory_space<hbm>>
    %dma_start3A_168 = tpu.memref_squeeze %dma_start3A_167 : memref<1x100000x32xf32, #tpu.memory_space<hbm>> -> memref<100000x32xf32, #tpu.memory_space<hbm>>
    %dma_start3A_169 = arith.constant 0 : i32
    %dma_start3A_170 = arith.constant 0 : i32
    %dma_start3A_171 = tpu.memref_slice %dma_start3A_168[%dma_start3A_169, %dma_start3A_170] : memref<100000x32xf32, #tpu.memory_space<hbm>> -> memref<100000x32xf32, #tpu.memory_space<hbm>>
    tpu.enqueue_indirect_dma source(%dma_start3A_171 : memref<100000x32xf32, #tpu.memory_space<hbm>>) target(%dma_start3A_161 : memref<128x32xf32, #tpu.memory_space<vmem>>) offsets(%dma_start3A_164 : memref<128xi32, #tpu.memory_space<vmem>>) semaphore(%arg8 : memref<!tpu.dma_semaphore, #tpu.memory_space<semaphore_mem>>)
    %dma_start3A_172 = arith.constant 10 : i32
    %dma_start3A_173 = arith.constant 10 : i32
    %dma_start3A_174 = arith.constant 10 : i32
    %dma_start3A_175 = arith.constant 0 : i32
    %dma_start3A_176 = arith.constant 0 : i32
    %dma_start3A_177 = tpu.memref_slice %arg6[%dma_start3A_174, %dma_start3A_175, %dma_start3A_176] : memref<26x128x32xf32, #tpu.memory_space<vmem>> -> memref<1x128x32xf32, #tpu.memory_space<vmem>>
    %dma_start3A_178 = tpu.memref_squeeze %dma_start3A_177 : memref<1x128x32xf32, #tpu.memory_space<vmem>> -> memref<128x32xf32, #tpu.memory_space<vmem>>
    %dma_start3A_179 = arith.constant 0 : i32
    %dma_start3A_180 = tpu.memref_slice %arg5[%dma_start3A_173, %dma_start3A_179] : memref<26x128xi32, #tpu.memory_space<vmem>> -> memref<1x128xi32, #tpu.memory_space<vmem>>
    %dma_start3A_181 = tpu.memref_squeeze %dma_start3A_180 : memref<1x128xi32, #tpu.memory_space<vmem>> -> memref<128xi32, #tpu.memory_space<vmem>>
    %dma_start3A_182 = arith.constant 0 : i32
    %dma_start3A_183 = arith.constant 0 : i32
    %dma_start3A_184 = tpu.memref_slice %arg3[%dma_start3A_172, %dma_start3A_182, %dma_start3A_183] : memref<26x100000x32xf32, #tpu.memory_space<hbm>> -> memref<1x100000x32xf32, #tpu.memory_space<hbm>>
    %dma_start3A_185 = tpu.memref_squeeze %dma_start3A_184 : memref<1x100000x32xf32, #tpu.memory_space<hbm>> -> memref<100000x32xf32, #tpu.memory_space<hbm>>
    %dma_start3A_186 = arith.constant 0 : i32
    %dma_start3A_187 = arith.constant 0 : i32
    %dma_start3A_188 = tpu.memref_slice %dma_start3A_185[%dma_start3A_186, %dma_start3A_187] : memref<100000x32xf32, #tpu.memory_space<hbm>> -> memref<100000x32xf32, #tpu.memory_space<hbm>>
    tpu.enqueue_indirect_dma source(%dma_start3A_188 : memref<100000x32xf32, #tpu.memory_space<hbm>>) target(%dma_start3A_178 : memref<128x32xf32, #tpu.memory_space<vmem>>) offsets(%dma_start3A_181 : memref<128xi32, #tpu.memory_space<vmem>>) semaphore(%arg8 : memref<!tpu.dma_semaphore, #tpu.memory_space<semaphore_mem>>)
    %dma_start3A_189 = arith.constant 11 : i32
    %dma_start3A_190 = arith.constant 11 : i32
    %dma_start3A_191 = arith.constant 11 : i32
    %dma_start3A_192 = arith.constant 0 : i32
    %dma_start3A_193 = arith.constant 0 : i32
    %dma_start3A_194 = tpu.memref_slice %arg6[%dma_start3A_191, %dma_start3A_192, %dma_start3A_193] : memref<26x128x32xf32, #tpu.memory_space<vmem>> -> memref<1x128x32xf32, #tpu.memory_space<vmem>>
    %dma_start3A_195 = tpu.memref_squeeze %dma_start3A_194 : memref<1x128x32xf32, #tpu.memory_space<vmem>> -> memref<128x32xf32, #tpu.memory_space<vmem>>
    %dma_start3A_196 = arith.constant 0 : i32
    %dma_start3A_197 = tpu.memref_slice %arg5[%dma_start3A_190, %dma_start3A_196] : memref<26x128xi32, #tpu.memory_space<vmem>> -> memref<1x128xi32, #tpu.memory_space<vmem>>
    %dma_start3A_198 = tpu.memref_squeeze %dma_start3A_197 : memref<1x128xi32, #tpu.memory_space<vmem>> -> memref<128xi32, #tpu.memory_space<vmem>>
    %dma_start3A_199 = arith.constant 0 : i32
    %dma_start3A_200 = arith.constant 0 : i32
    %dma_start3A_201 = tpu.memref_slice %arg3[%dma_start3A_189, %dma_start3A_199, %dma_start3A_200] : memref<26x100000x32xf32, #tpu.memory_space<hbm>> -> memref<1x100000x32xf32, #tpu.memory_space<hbm>>
    %dma_start3A_202 = tpu.memref_squeeze %dma_start3A_201 : memref<1x100000x32xf32, #tpu.memory_space<hbm>> -> memref<100000x32xf32, #tpu.memory_space<hbm>>
    %dma_start3A_203 = arith.constant 0 : i32
    %dma_start3A_204 = arith.constant 0 : i32
    %dma_start3A_205 = tpu.memref_slice %dma_start3A_202[%dma_start3A_203, %dma_start3A_204] : memref<100000x32xf32, #tpu.memory_space<hbm>> -> memref<100000x32xf32, #tpu.memory_space<hbm>>
    tpu.enqueue_indirect_dma source(%dma_start3A_205 : memref<100000x32xf32, #tpu.memory_space<hbm>>) target(%dma_start3A_195 : memref<128x32xf32, #tpu.memory_space<vmem>>) offsets(%dma_start3A_198 : memref<128xi32, #tpu.memory_space<vmem>>) semaphore(%arg8 : memref<!tpu.dma_semaphore, #tpu.memory_space<semaphore_mem>>)
    %dma_start3A_206 = arith.constant 12 : i32
    %dma_start3A_207 = arith.constant 12 : i32
    %dma_start3A_208 = arith.constant 12 : i32
    %dma_start3A_209 = arith.constant 0 : i32
    %dma_start3A_210 = arith.constant 0 : i32
    %dma_start3A_211 = tpu.memref_slice %arg6[%dma_start3A_208, %dma_start3A_209, %dma_start3A_210] : memref<26x128x32xf32, #tpu.memory_space<vmem>> -> memref<1x128x32xf32, #tpu.memory_space<vmem>>
    %dma_start3A_212 = tpu.memref_squeeze %dma_start3A_211 : memref<1x128x32xf32, #tpu.memory_space<vmem>> -> memref<128x32xf32, #tpu.memory_space<vmem>>
    %dma_start3A_213 = arith.constant 0 : i32
    %dma_start3A_214 = tpu.memref_slice %arg5[%dma_start3A_207, %dma_start3A_213] : memref<26x128xi32, #tpu.memory_space<vmem>> -> memref<1x128xi32, #tpu.memory_space<vmem>>
    %dma_start3A_215 = tpu.memref_squeeze %dma_start3A_214 : memref<1x128xi32, #tpu.memory_space<vmem>> -> memref<128xi32, #tpu.memory_space<vmem>>
    %dma_start3A_216 = arith.constant 0 : i32
    %dma_start3A_217 = arith.constant 0 : i32
    %dma_start3A_218 = tpu.memref_slice %arg3[%dma_start3A_206, %dma_start3A_216, %dma_start3A_217] : memref<26x100000x32xf32, #tpu.memory_space<hbm>> -> memref<1x100000x32xf32, #tpu.memory_space<hbm>>
    %dma_start3A_219 = tpu.memref_squeeze %dma_start3A_218 : memref<1x100000x32xf32, #tpu.memory_space<hbm>> -> memref<100000x32xf32, #tpu.memory_space<hbm>>
    %dma_start3A_220 = arith.constant 0 : i32
    %dma_start3A_221 = arith.constant 0 : i32
    %dma_start3A_222 = tpu.memref_slice %dma_start3A_219[%dma_start3A_220, %dma_start3A_221] : memref<100000x32xf32, #tpu.memory_space<hbm>> -> memref<100000x32xf32, #tpu.memory_space<hbm>>
    tpu.enqueue_indirect_dma source(%dma_start3A_222 : memref<100000x32xf32, #tpu.memory_space<hbm>>) target(%dma_start3A_212 : memref<128x32xf32, #tpu.memory_space<vmem>>) offsets(%dma_start3A_215 : memref<128xi32, #tpu.memory_space<vmem>>) semaphore(%arg8 : memref<!tpu.dma_semaphore, #tpu.memory_space<semaphore_mem>>)
    %dma_start3A_223 = arith.constant 13 : i32
    %dma_start3A_224 = arith.constant 13 : i32
    %dma_start3A_225 = arith.constant 13 : i32
    %dma_start3A_226 = arith.constant 0 : i32
    %dma_start3A_227 = arith.constant 0 : i32
    %dma_start3A_228 = tpu.memref_slice %arg6[%dma_start3A_225, %dma_start3A_226, %dma_start3A_227] : memref<26x128x32xf32, #tpu.memory_space<vmem>> -> memref<1x128x32xf32, #tpu.memory_space<vmem>>
    %dma_start3A_229 = tpu.memref_squeeze %dma_start3A_228 : memref<1x128x32xf32, #tpu.memory_space<vmem>> -> memref<128x32xf32, #tpu.memory_space<vmem>>
    %dma_start3A_230 = arith.constant 0 : i32
    %dma_start3A_231 = tpu.memref_slice %arg5[%dma_start3A_224, %dma_start3A_230] : memref<26x128xi32, #tpu.memory_space<vmem>> -> memref<1x128xi32, #tpu.memory_space<vmem>>
    %dma_start3A_232 = tpu.memref_squeeze %dma_start3A_231 : memref<1x128xi32, #tpu.memory_space<vmem>> -> memref<128xi32, #tpu.memory_space<vmem>>
    %dma_start3A_233 = arith.constant 0 : i32
    %dma_start3A_234 = arith.constant 0 : i32
    %dma_start3A_235 = tpu.memref_slice %arg3[%dma_start3A_223, %dma_start3A_233, %dma_start3A_234] : memref<26x100000x32xf32, #tpu.memory_space<hbm>> -> memref<1x100000x32xf32, #tpu.memory_space<hbm>>
    %dma_start3A_236 = tpu.memref_squeeze %dma_start3A_235 : memref<1x100000x32xf32, #tpu.memory_space<hbm>> -> memref<100000x32xf32, #tpu.memory_space<hbm>>
    %dma_start3A_237 = arith.constant 0 : i32
    %dma_start3A_238 = arith.constant 0 : i32
    %dma_start3A_239 = tpu.memref_slice %dma_start3A_236[%dma_start3A_237, %dma_start3A_238] : memref<100000x32xf32, #tpu.memory_space<hbm>> -> memref<100000x32xf32, #tpu.memory_space<hbm>>
    tpu.enqueue_indirect_dma source(%dma_start3A_239 : memref<100000x32xf32, #tpu.memory_space<hbm>>) target(%dma_start3A_229 : memref<128x32xf32, #tpu.memory_space<vmem>>) offsets(%dma_start3A_232 : memref<128xi32, #tpu.memory_space<vmem>>) semaphore(%arg8 : memref<!tpu.dma_semaphore, #tpu.memory_space<semaphore_mem>>)
    %dma_start3A_240 = arith.constant 14 : i32
    %dma_start3A_241 = arith.constant 14 : i32
    %dma_start3A_242 = arith.constant 14 : i32
    %dma_start3A_243 = arith.constant 0 : i32
    %dma_start3A_244 = arith.constant 0 : i32
    %dma_start3A_245 = tpu.memref_slice %arg6[%dma_start3A_242, %dma_start3A_243, %dma_start3A_244] : memref<26x128x32xf32, #tpu.memory_space<vmem>> -> memref<1x128x32xf32, #tpu.memory_space<vmem>>
    %dma_start3A_246 = tpu.memref_squeeze %dma_start3A_245 : memref<1x128x32xf32, #tpu.memory_space<vmem>> -> memref<128x32xf32, #tpu.memory_space<vmem>>
    %dma_start3A_247 = arith.constant 0 : i32
    %dma_start3A_248 = tpu.memref_slice %arg5[%dma_start3A_241, %dma_start3A_247] : memref<26x128xi32, #tpu.memory_space<vmem>> -> memref<1x128xi32, #tpu.memory_space<vmem>>
    %dma_start3A_249 = tpu.memref_squeeze %dma_start3A_248 : memref<1x128xi32, #tpu.memory_space<vmem>> -> memref<128xi32, #tpu.memory_space<vmem>>
    %dma_start3A_250 = arith.constant 0 : i32
    %dma_start3A_251 = arith.constant 0 : i32
    %dma_start3A_252 = tpu.memref_slice %arg3[%dma_start3A_240, %dma_start3A_250, %dma_start3A_251] : memref<26x100000x32xf32, #tpu.memory_space<hbm>> -> memref<1x100000x32xf32, #tpu.memory_space<hbm>>
    %dma_start3A_253 = tpu.memref_squeeze %dma_start3A_252 : memref<1x100000x32xf32, #tpu.memory_space<hbm>> -> memref<100000x32xf32, #tpu.memory_space<hbm>>
    %dma_start3A_254 = arith.constant 0 : i32
    %dma_start3A_255 = arith.constant 0 : i32
    %dma_start3A_256 = tpu.memref_slice %dma_start3A_253[%dma_start3A_254, %dma_start3A_255] : memref<100000x32xf32, #tpu.memory_space<hbm>> -> memref<100000x32xf32, #tpu.memory_space<hbm>>
    tpu.enqueue_indirect_dma source(%dma_start3A_256 : memref<100000x32xf32, #tpu.memory_space<hbm>>) target(%dma_start3A_246 : memref<128x32xf32, #tpu.memory_space<vmem>>) offsets(%dma_start3A_249 : memref<128xi32, #tpu.memory_space<vmem>>) semaphore(%arg8 : memref<!tpu.dma_semaphore, #tpu.memory_space<semaphore_mem>>)
    %dma_start3A_257 = arith.constant 15 : i32
    %dma_start3A_258 = arith.constant 15 : i32
    %dma_start3A_259 = arith.constant 15 : i32
    %dma_start3A_260 = arith.constant 0 : i32
    %dma_start3A_261 = arith.constant 0 : i32
    %dma_start3A_262 = tpu.memref_slice %arg6[%dma_start3A_259, %dma_start3A_260, %dma_start3A_261] : memref<26x128x32xf32, #tpu.memory_space<vmem>> -> memref<1x128x32xf32, #tpu.memory_space<vmem>>
    %dma_start3A_263 = tpu.memref_squeeze %dma_start3A_262 : memref<1x128x32xf32, #tpu.memory_space<vmem>> -> memref<128x32xf32, #tpu.memory_space<vmem>>
    %dma_start3A_264 = arith.constant 0 : i32
    %dma_start3A_265 = tpu.memref_slice %arg5[%dma_start3A_258, %dma_start3A_264] : memref<26x128xi32, #tpu.memory_space<vmem>> -> memref<1x128xi32, #tpu.memory_space<vmem>>
    %dma_start3A_266 = tpu.memref_squeeze %dma_start3A_265 : memref<1x128xi32, #tpu.memory_space<vmem>> -> memref<128xi32, #tpu.memory_space<vmem>>
    %dma_start3A_267 = arith.constant 0 : i32
    %dma_start3A_268 = arith.constant 0 : i32
    %dma_start3A_269 = tpu.memref_slice %arg3[%dma_start3A_257, %dma_start3A_267, %dma_start3A_268] : memref<26x100000x32xf32, #tpu.memory_space<hbm>> -> memref<1x100000x32xf32, #tpu.memory_space<hbm>>
    %dma_start3A_270 = tpu.memref_squeeze %dma_start3A_269 : memref<1x100000x32xf32, #tpu.memory_space<hbm>> -> memref<100000x32xf32, #tpu.memory_space<hbm>>
    %dma_start3A_271 = arith.constant 0 : i32
    %dma_start3A_272 = arith.constant 0 : i32
    %dma_start3A_273 = tpu.memref_slice %dma_start3A_270[%dma_start3A_271, %dma_start3A_272] : memref<100000x32xf32, #tpu.memory_space<hbm>> -> memref<100000x32xf32, #tpu.memory_space<hbm>>
    tpu.enqueue_indirect_dma source(%dma_start3A_273 : memref<100000x32xf32, #tpu.memory_space<hbm>>) target(%dma_start3A_263 : memref<128x32xf32, #tpu.memory_space<vmem>>) offsets(%dma_start3A_266 : memref<128xi32, #tpu.memory_space<vmem>>) semaphore(%arg8 : memref<!tpu.dma_semaphore, #tpu.memory_space<semaphore_mem>>)
    %dma_start3A_274 = arith.constant 16 : i32
    %dma_start3A_275 = arith.constant 16 : i32
    %dma_start3A_276 = arith.constant 16 : i32
    %dma_start3A_277 = arith.constant 0 : i32
    %dma_start3A_278 = arith.constant 0 : i32
    %dma_start3A_279 = tpu.memref_slice %arg6[%dma_start3A_276, %dma_start3A_277, %dma_start3A_278] : memref<26x128x32xf32, #tpu.memory_space<vmem>> -> memref<1x128x32xf32, #tpu.memory_space<vmem>>
    %dma_start3A_280 = tpu.memref_squeeze %dma_start3A_279 : memref<1x128x32xf32, #tpu.memory_space<vmem>> -> memref<128x32xf32, #tpu.memory_space<vmem>>
    %dma_start3A_281 = arith.constant 0 : i32
    %dma_start3A_282 = tpu.memref_slice %arg5[%dma_start3A_275, %dma_start3A_281] : memref<26x128xi32, #tpu.memory_space<vmem>> -> memref<1x128xi32, #tpu.memory_space<vmem>>
    %dma_start3A_283 = tpu.memref_squeeze %dma_start3A_282 : memref<1x128xi32, #tpu.memory_space<vmem>> -> memref<128xi32, #tpu.memory_space<vmem>>
    %dma_start3A_284 = arith.constant 0 : i32
    %dma_start3A_285 = arith.constant 0 : i32
    %dma_start3A_286 = tpu.memref_slice %arg3[%dma_start3A_274, %dma_start3A_284, %dma_start3A_285] : memref<26x100000x32xf32, #tpu.memory_space<hbm>> -> memref<1x100000x32xf32, #tpu.memory_space<hbm>>
    %dma_start3A_287 = tpu.memref_squeeze %dma_start3A_286 : memref<1x100000x32xf32, #tpu.memory_space<hbm>> -> memref<100000x32xf32, #tpu.memory_space<hbm>>
    %dma_start3A_288 = arith.constant 0 : i32
    %dma_start3A_289 = arith.constant 0 : i32
    %dma_start3A_290 = tpu.memref_slice %dma_start3A_287[%dma_start3A_288, %dma_start3A_289] : memref<100000x32xf32, #tpu.memory_space<hbm>> -> memref<100000x32xf32, #tpu.memory_space<hbm>>
    tpu.enqueue_indirect_dma source(%dma_start3A_290 : memref<100000x32xf32, #tpu.memory_space<hbm>>) target(%dma_start3A_280 : memref<128x32xf32, #tpu.memory_space<vmem>>) offsets(%dma_start3A_283 : memref<128xi32, #tpu.memory_space<vmem>>) semaphore(%arg8 : memref<!tpu.dma_semaphore, #tpu.memory_space<semaphore_mem>>)
    %dma_start3A_291 = arith.constant 17 : i32
    %dma_start3A_292 = arith.constant 17 : i32
    %dma_start3A_293 = arith.constant 17 : i32
    %dma_start3A_294 = arith.constant 0 : i32
    %dma_start3A_295 = arith.constant 0 : i32
    %dma_start3A_296 = tpu.memref_slice %arg6[%dma_start3A_293, %dma_start3A_294, %dma_start3A_295] : memref<26x128x32xf32, #tpu.memory_space<vmem>> -> memref<1x128x32xf32, #tpu.memory_space<vmem>>
    %dma_start3A_297 = tpu.memref_squeeze %dma_start3A_296 : memref<1x128x32xf32, #tpu.memory_space<vmem>> -> memref<128x32xf32, #tpu.memory_space<vmem>>
    %dma_start3A_298 = arith.constant 0 : i32
    %dma_start3A_299 = tpu.memref_slice %arg5[%dma_start3A_292, %dma_start3A_298] : memref<26x128xi32, #tpu.memory_space<vmem>> -> memref<1x128xi32, #tpu.memory_space<vmem>>
    %dma_start3A_300 = tpu.memref_squeeze %dma_start3A_299 : memref<1x128xi32, #tpu.memory_space<vmem>> -> memref<128xi32, #tpu.memory_space<vmem>>
    %dma_start3A_301 = arith.constant 0 : i32
    %dma_start3A_302 = arith.constant 0 : i32
    %dma_start3A_303 = tpu.memref_slice %arg3[%dma_start3A_291, %dma_start3A_301, %dma_start3A_302] : memref<26x100000x32xf32, #tpu.memory_space<hbm>> -> memref<1x100000x32xf32, #tpu.memory_space<hbm>>
    %dma_start3A_304 = tpu.memref_squeeze %dma_start3A_303 : memref<1x100000x32xf32, #tpu.memory_space<hbm>> -> memref<100000x32xf32, #tpu.memory_space<hbm>>
    %dma_start3A_305 = arith.constant 0 : i32
    %dma_start3A_306 = arith.constant 0 : i32
    %dma_start3A_307 = tpu.memref_slice %dma_start3A_304[%dma_start3A_305, %dma_start3A_306] : memref<100000x32xf32, #tpu.memory_space<hbm>> -> memref<100000x32xf32, #tpu.memory_space<hbm>>
    tpu.enqueue_indirect_dma source(%dma_start3A_307 : memref<100000x32xf32, #tpu.memory_space<hbm>>) target(%dma_start3A_297 : memref<128x32xf32, #tpu.memory_space<vmem>>) offsets(%dma_start3A_300 : memref<128xi32, #tpu.memory_space<vmem>>) semaphore(%arg8 : memref<!tpu.dma_semaphore, #tpu.memory_space<semaphore_mem>>)
    %dma_start3A_308 = arith.constant 18 : i32
    %dma_start3A_309 = arith.constant 18 : i32
    %dma_start3A_310 = arith.constant 18 : i32
    %dma_start3A_311 = arith.constant 0 : i32
    %dma_start3A_312 = arith.constant 0 : i32
    %dma_start3A_313 = tpu.memref_slice %arg6[%dma_start3A_310, %dma_start3A_311, %dma_start3A_312] : memref<26x128x32xf32, #tpu.memory_space<vmem>> -> memref<1x128x32xf32, #tpu.memory_space<vmem>>
    %dma_start3A_314 = tpu.memref_squeeze %dma_start3A_313 : memref<1x128x32xf32, #tpu.memory_space<vmem>> -> memref<128x32xf32, #tpu.memory_space<vmem>>
    %dma_start3A_315 = arith.constant 0 : i32
    %dma_start3A_316 = tpu.memref_slice %arg5[%dma_start3A_309, %dma_start3A_315] : memref<26x128xi32, #tpu.memory_space<vmem>> -> memref<1x128xi32, #tpu.memory_space<vmem>>
    %dma_start3A_317 = tpu.memref_squeeze %dma_start3A_316 : memref<1x128xi32, #tpu.memory_space<vmem>> -> memref<128xi32, #tpu.memory_space<vmem>>
    %dma_start3A_318 = arith.constant 0 : i32
    %dma_start3A_319 = arith.constant 0 : i32
    %dma_start3A_320 = tpu.memref_slice %arg3[%dma_start3A_308, %dma_start3A_318, %dma_start3A_319] : memref<26x100000x32xf32, #tpu.memory_space<hbm>> -> memref<1x100000x32xf32, #tpu.memory_space<hbm>>
    %dma_start3A_321 = tpu.memref_squeeze %dma_start3A_320 : memref<1x100000x32xf32, #tpu.memory_space<hbm>> -> memref<100000x32xf32, #tpu.memory_space<hbm>>
    %dma_start3A_322 = arith.constant 0 : i32
    %dma_start3A_323 = arith.constant 0 : i32
    %dma_start3A_324 = tpu.memref_slice %dma_start3A_321[%dma_start3A_322, %dma_start3A_323] : memref<100000x32xf32, #tpu.memory_space<hbm>> -> memref<100000x32xf32, #tpu.memory_space<hbm>>
    tpu.enqueue_indirect_dma source(%dma_start3A_324 : memref<100000x32xf32, #tpu.memory_space<hbm>>) target(%dma_start3A_314 : memref<128x32xf32, #tpu.memory_space<vmem>>) offsets(%dma_start3A_317 : memref<128xi32, #tpu.memory_space<vmem>>) semaphore(%arg8 : memref<!tpu.dma_semaphore, #tpu.memory_space<semaphore_mem>>)
    %dma_start3A_325 = arith.constant 19 : i32
    %dma_start3A_326 = arith.constant 19 : i32
    %dma_start3A_327 = arith.constant 19 : i32
    %dma_start3A_328 = arith.constant 0 : i32
    %dma_start3A_329 = arith.constant 0 : i32
    %dma_start3A_330 = tpu.memref_slice %arg6[%dma_start3A_327, %dma_start3A_328, %dma_start3A_329] : memref<26x128x32xf32, #tpu.memory_space<vmem>> -> memref<1x128x32xf32, #tpu.memory_space<vmem>>
    %dma_start3A_331 = tpu.memref_squeeze %dma_start3A_330 : memref<1x128x32xf32, #tpu.memory_space<vmem>> -> memref<128x32xf32, #tpu.memory_space<vmem>>
    %dma_start3A_332 = arith.constant 0 : i32
    %dma_start3A_333 = tpu.memref_slice %arg5[%dma_start3A_326, %dma_start3A_332] : memref<26x128xi32, #tpu.memory_space<vmem>> -> memref<1x128xi32, #tpu.memory_space<vmem>>
    %dma_start3A_334 = tpu.memref_squeeze %dma_start3A_333 : memref<1x128xi32, #tpu.memory_space<vmem>> -> memref<128xi32, #tpu.memory_space<vmem>>
    %dma_start3A_335 = arith.constant 0 : i32
    %dma_start3A_336 = arith.constant 0 : i32
    %dma_start3A_337 = tpu.memref_slice %arg3[%dma_start3A_325, %dma_start3A_335, %dma_start3A_336] : memref<26x100000x32xf32, #tpu.memory_space<hbm>> -> memref<1x100000x32xf32, #tpu.memory_space<hbm>>
    %dma_start3A_338 = tpu.memref_squeeze %dma_start3A_337 : memref<1x100000x32xf32, #tpu.memory_space<hbm>> -> memref<100000x32xf32, #tpu.memory_space<hbm>>
    %dma_start3A_339 = arith.constant 0 : i32
    %dma_start3A_340 = arith.constant 0 : i32
    %dma_start3A_341 = tpu.memref_slice %dma_start3A_338[%dma_start3A_339, %dma_start3A_340] : memref<100000x32xf32, #tpu.memory_space<hbm>> -> memref<100000x32xf32, #tpu.memory_space<hbm>>
    tpu.enqueue_indirect_dma source(%dma_start3A_341 : memref<100000x32xf32, #tpu.memory_space<hbm>>) target(%dma_start3A_331 : memref<128x32xf32, #tpu.memory_space<vmem>>) offsets(%dma_start3A_334 : memref<128xi32, #tpu.memory_space<vmem>>) semaphore(%arg8 : memref<!tpu.dma_semaphore, #tpu.memory_space<semaphore_mem>>)
    %dma_start3A_342 = arith.constant 20 : i32
    %dma_start3A_343 = arith.constant 20 : i32
    %dma_start3A_344 = arith.constant 20 : i32
    %dma_start3A_345 = arith.constant 0 : i32
    %dma_start3A_346 = arith.constant 0 : i32
    %dma_start3A_347 = tpu.memref_slice %arg6[%dma_start3A_344, %dma_start3A_345, %dma_start3A_346] : memref<26x128x32xf32, #tpu.memory_space<vmem>> -> memref<1x128x32xf32, #tpu.memory_space<vmem>>
    %dma_start3A_348 = tpu.memref_squeeze %dma_start3A_347 : memref<1x128x32xf32, #tpu.memory_space<vmem>> -> memref<128x32xf32, #tpu.memory_space<vmem>>
    %dma_start3A_349 = arith.constant 0 : i32
    %dma_start3A_350 = tpu.memref_slice %arg5[%dma_start3A_343, %dma_start3A_349] : memref<26x128xi32, #tpu.memory_space<vmem>> -> memref<1x128xi32, #tpu.memory_space<vmem>>
    %dma_start3A_351 = tpu.memref_squeeze %dma_start3A_350 : memref<1x128xi32, #tpu.memory_space<vmem>> -> memref<128xi32, #tpu.memory_space<vmem>>
    %dma_start3A_352 = arith.constant 0 : i32
    %dma_start3A_353 = arith.constant 0 : i32
    %dma_start3A_354 = tpu.memref_slice %arg3[%dma_start3A_342, %dma_start3A_352, %dma_start3A_353] : memref<26x100000x32xf32, #tpu.memory_space<hbm>> -> memref<1x100000x32xf32, #tpu.memory_space<hbm>>
    %dma_start3A_355 = tpu.memref_squeeze %dma_start3A_354 : memref<1x100000x32xf32, #tpu.memory_space<hbm>> -> memref<100000x32xf32, #tpu.memory_space<hbm>>
    %dma_start3A_356 = arith.constant 0 : i32
    %dma_start3A_357 = arith.constant 0 : i32
    %dma_start3A_358 = tpu.memref_slice %dma_start3A_355[%dma_start3A_356, %dma_start3A_357] : memref<100000x32xf32, #tpu.memory_space<hbm>> -> memref<100000x32xf32, #tpu.memory_space<hbm>>
    tpu.enqueue_indirect_dma source(%dma_start3A_358 : memref<100000x32xf32, #tpu.memory_space<hbm>>) target(%dma_start3A_348 : memref<128x32xf32, #tpu.memory_space<vmem>>) offsets(%dma_start3A_351 : memref<128xi32, #tpu.memory_space<vmem>>) semaphore(%arg8 : memref<!tpu.dma_semaphore, #tpu.memory_space<semaphore_mem>>)
    %dma_start3A_359 = arith.constant 21 : i32
    %dma_start3A_360 = arith.constant 21 : i32
    %dma_start3A_361 = arith.constant 21 : i32
    %dma_start3A_362 = arith.constant 0 : i32
    %dma_start3A_363 = arith.constant 0 : i32
    %dma_start3A_364 = tpu.memref_slice %arg6[%dma_start3A_361, %dma_start3A_362, %dma_start3A_363] : memref<26x128x32xf32, #tpu.memory_space<vmem>> -> memref<1x128x32xf32, #tpu.memory_space<vmem>>
    %dma_start3A_365 = tpu.memref_squeeze %dma_start3A_364 : memref<1x128x32xf32, #tpu.memory_space<vmem>> -> memref<128x32xf32, #tpu.memory_space<vmem>>
    %dma_start3A_366 = arith.constant 0 : i32
    %dma_start3A_367 = tpu.memref_slice %arg5[%dma_start3A_360, %dma_start3A_366] : memref<26x128xi32, #tpu.memory_space<vmem>> -> memref<1x128xi32, #tpu.memory_space<vmem>>
    %dma_start3A_368 = tpu.memref_squeeze %dma_start3A_367 : memref<1x128xi32, #tpu.memory_space<vmem>> -> memref<128xi32, #tpu.memory_space<vmem>>
    %dma_start3A_369 = arith.constant 0 : i32
    %dma_start3A_370 = arith.constant 0 : i32
    %dma_start3A_371 = tpu.memref_slice %arg3[%dma_start3A_359, %dma_start3A_369, %dma_start3A_370] : memref<26x100000x32xf32, #tpu.memory_space<hbm>> -> memref<1x100000x32xf32, #tpu.memory_space<hbm>>
    %dma_start3A_372 = tpu.memref_squeeze %dma_start3A_371 : memref<1x100000x32xf32, #tpu.memory_space<hbm>> -> memref<100000x32xf32, #tpu.memory_space<hbm>>
    %dma_start3A_373 = arith.constant 0 : i32
    %dma_start3A_374 = arith.constant 0 : i32
    %dma_start3A_375 = tpu.memref_slice %dma_start3A_372[%dma_start3A_373, %dma_start3A_374] : memref<100000x32xf32, #tpu.memory_space<hbm>> -> memref<100000x32xf32, #tpu.memory_space<hbm>>
    tpu.enqueue_indirect_dma source(%dma_start3A_375 : memref<100000x32xf32, #tpu.memory_space<hbm>>) target(%dma_start3A_365 : memref<128x32xf32, #tpu.memory_space<vmem>>) offsets(%dma_start3A_368 : memref<128xi32, #tpu.memory_space<vmem>>) semaphore(%arg8 : memref<!tpu.dma_semaphore, #tpu.memory_space<semaphore_mem>>)
    %dma_start3A_376 = arith.constant 22 : i32
    %dma_start3A_377 = arith.constant 22 : i32
    %dma_start3A_378 = arith.constant 22 : i32
    %dma_start3A_379 = arith.constant 0 : i32
    %dma_start3A_380 = arith.constant 0 : i32
    %dma_start3A_381 = tpu.memref_slice %arg6[%dma_start3A_378, %dma_start3A_379, %dma_start3A_380] : memref<26x128x32xf32, #tpu.memory_space<vmem>> -> memref<1x128x32xf32, #tpu.memory_space<vmem>>
    %dma_start3A_382 = tpu.memref_squeeze %dma_start3A_381 : memref<1x128x32xf32, #tpu.memory_space<vmem>> -> memref<128x32xf32, #tpu.memory_space<vmem>>
    %dma_start3A_383 = arith.constant 0 : i32
    %dma_start3A_384 = tpu.memref_slice %arg5[%dma_start3A_377, %dma_start3A_383] : memref<26x128xi32, #tpu.memory_space<vmem>> -> memref<1x128xi32, #tpu.memory_space<vmem>>
    %dma_start3A_385 = tpu.memref_squeeze %dma_start3A_384 : memref<1x128xi32, #tpu.memory_space<vmem>> -> memref<128xi32, #tpu.memory_space<vmem>>
    %dma_start3A_386 = arith.constant 0 : i32
    %dma_start3A_387 = arith.constant 0 : i32
    %dma_start3A_388 = tpu.memref_slice %arg3[%dma_start3A_376, %dma_start3A_386, %dma_start3A_387] : memref<26x100000x32xf32, #tpu.memory_space<hbm>> -> memref<1x100000x32xf32, #tpu.memory_space<hbm>>
    %dma_start3A_389 = tpu.memref_squeeze %dma_start3A_388 : memref<1x100000x32xf32, #tpu.memory_space<hbm>> -> memref<100000x32xf32, #tpu.memory_space<hbm>>
    %dma_start3A_390 = arith.constant 0 : i32
    %dma_start3A_391 = arith.constant 0 : i32
    %dma_start3A_392 = tpu.memref_slice %dma_start3A_389[%dma_start3A_390, %dma_start3A_391] : memref<100000x32xf32, #tpu.memory_space<hbm>> -> memref<100000x32xf32, #tpu.memory_space<hbm>>
    tpu.enqueue_indirect_dma source(%dma_start3A_392 : memref<100000x32xf32, #tpu.memory_space<hbm>>) target(%dma_start3A_382 : memref<128x32xf32, #tpu.memory_space<vmem>>) offsets(%dma_start3A_385 : memref<128xi32, #tpu.memory_space<vmem>>) semaphore(%arg8 : memref<!tpu.dma_semaphore, #tpu.memory_space<semaphore_mem>>)
    %dma_start3A_393 = arith.constant 23 : i32
    %dma_start3A_394 = arith.constant 23 : i32
    %dma_start3A_395 = arith.constant 23 : i32
    %dma_start3A_396 = arith.constant 0 : i32
    %dma_start3A_397 = arith.constant 0 : i32
    %dma_start3A_398 = tpu.memref_slice %arg6[%dma_start3A_395, %dma_start3A_396, %dma_start3A_397] : memref<26x128x32xf32, #tpu.memory_space<vmem>> -> memref<1x128x32xf32, #tpu.memory_space<vmem>>
    %dma_start3A_399 = tpu.memref_squeeze %dma_start3A_398 : memref<1x128x32xf32, #tpu.memory_space<vmem>> -> memref<128x32xf32, #tpu.memory_space<vmem>>
    %dma_start3A_400 = arith.constant 0 : i32
    %dma_start3A_401 = tpu.memref_slice %arg5[%dma_start3A_394, %dma_start3A_400] : memref<26x128xi32, #tpu.memory_space<vmem>> -> memref<1x128xi32, #tpu.memory_space<vmem>>
    %dma_start3A_402 = tpu.memref_squeeze %dma_start3A_401 : memref<1x128xi32, #tpu.memory_space<vmem>> -> memref<128xi32, #tpu.memory_space<vmem>>
    %dma_start3A_403 = arith.constant 0 : i32
    %dma_start3A_404 = arith.constant 0 : i32
    %dma_start3A_405 = tpu.memref_slice %arg3[%dma_start3A_393, %dma_start3A_403, %dma_start3A_404] : memref<26x100000x32xf32, #tpu.memory_space<hbm>> -> memref<1x100000x32xf32, #tpu.memory_space<hbm>>
    %dma_start3A_406 = tpu.memref_squeeze %dma_start3A_405 : memref<1x100000x32xf32, #tpu.memory_space<hbm>> -> memref<100000x32xf32, #tpu.memory_space<hbm>>
    %dma_start3A_407 = arith.constant 0 : i32
    %dma_start3A_408 = arith.constant 0 : i32
    %dma_start3A_409 = tpu.memref_slice %dma_start3A_406[%dma_start3A_407, %dma_start3A_408] : memref<100000x32xf32, #tpu.memory_space<hbm>> -> memref<100000x32xf32, #tpu.memory_space<hbm>>
    tpu.enqueue_indirect_dma source(%dma_start3A_409 : memref<100000x32xf32, #tpu.memory_space<hbm>>) target(%dma_start3A_399 : memref<128x32xf32, #tpu.memory_space<vmem>>) offsets(%dma_start3A_402 : memref<128xi32, #tpu.memory_space<vmem>>) semaphore(%arg8 : memref<!tpu.dma_semaphore, #tpu.memory_space<semaphore_mem>>)
    %dma_start3A_410 = arith.constant 24 : i32
    %dma_start3A_411 = arith.constant 24 : i32
    %dma_start3A_412 = arith.constant 24 : i32
    %dma_start3A_413 = arith.constant 0 : i32
    %dma_start3A_414 = arith.constant 0 : i32
    %dma_start3A_415 = tpu.memref_slice %arg6[%dma_start3A_412, %dma_start3A_413, %dma_start3A_414] : memref<26x128x32xf32, #tpu.memory_space<vmem>> -> memref<1x128x32xf32, #tpu.memory_space<vmem>>
    %dma_start3A_416 = tpu.memref_squeeze %dma_start3A_415 : memref<1x128x32xf32, #tpu.memory_space<vmem>> -> memref<128x32xf32, #tpu.memory_space<vmem>>
    %dma_start3A_417 = arith.constant 0 : i32
    %dma_start3A_418 = tpu.memref_slice %arg5[%dma_start3A_411, %dma_start3A_417] : memref<26x128xi32, #tpu.memory_space<vmem>> -> memref<1x128xi32, #tpu.memory_space<vmem>>
    %dma_start3A_419 = tpu.memref_squeeze %dma_start3A_418 : memref<1x128xi32, #tpu.memory_space<vmem>> -> memref<128xi32, #tpu.memory_space<vmem>>
    %dma_start3A_420 = arith.constant 0 : i32
    %dma_start3A_421 = arith.constant 0 : i32
    %dma_start3A_422 = tpu.memref_slice %arg3[%dma_start3A_410, %dma_start3A_420, %dma_start3A_421] : memref<26x100000x32xf32, #tpu.memory_space<hbm>> -> memref<1x100000x32xf32, #tpu.memory_space<hbm>>
    %dma_start3A_423 = tpu.memref_squeeze %dma_start3A_422 : memref<1x100000x32xf32, #tpu.memory_space<hbm>> -> memref<100000x32xf32, #tpu.memory_space<hbm>>
    %dma_start3A_424 = arith.constant 0 : i32
    %dma_start3A_425 = arith.constant 0 : i32
    %dma_start3A_426 = tpu.memref_slice %dma_start3A_423[%dma_start3A_424, %dma_start3A_425] : memref<100000x32xf32, #tpu.memory_space<hbm>> -> memref<100000x32xf32, #tpu.memory_space<hbm>>
    tpu.enqueue_indirect_dma source(%dma_start3A_426 : memref<100000x32xf32, #tpu.memory_space<hbm>>) target(%dma_start3A_416 : memref<128x32xf32, #tpu.memory_space<vmem>>) offsets(%dma_start3A_419 : memref<128xi32, #tpu.memory_space<vmem>>) semaphore(%arg8 : memref<!tpu.dma_semaphore, #tpu.memory_space<semaphore_mem>>)
    %dma_start3A_427 = arith.constant 25 : i32
    %dma_start3A_428 = arith.constant 25 : i32
    %dma_start3A_429 = arith.constant 25 : i32
    %dma_start3A_430 = arith.constant 0 : i32
    %dma_start3A_431 = arith.constant 0 : i32
    %dma_start3A_432 = tpu.memref_slice %arg6[%dma_start3A_429, %dma_start3A_430, %dma_start3A_431] : memref<26x128x32xf32, #tpu.memory_space<vmem>> -> memref<1x128x32xf32, #tpu.memory_space<vmem>>
    %dma_start3A_433 = tpu.memref_squeeze %dma_start3A_432 : memref<1x128x32xf32, #tpu.memory_space<vmem>> -> memref<128x32xf32, #tpu.memory_space<vmem>>
    %dma_start3A_434 = arith.constant 0 : i32
    %dma_start3A_435 = tpu.memref_slice %arg5[%dma_start3A_428, %dma_start3A_434] : memref<26x128xi32, #tpu.memory_space<vmem>> -> memref<1x128xi32, #tpu.memory_space<vmem>>
    %dma_start3A_436 = tpu.memref_squeeze %dma_start3A_435 : memref<1x128xi32, #tpu.memory_space<vmem>> -> memref<128xi32, #tpu.memory_space<vmem>>
    %dma_start3A_437 = arith.constant 0 : i32
    %dma_start3A_438 = arith.constant 0 : i32
    %dma_start3A_439 = tpu.memref_slice %arg3[%dma_start3A_427, %dma_start3A_437, %dma_start3A_438] : memref<26x100000x32xf32, #tpu.memory_space<hbm>> -> memref<1x100000x32xf32, #tpu.memory_space<hbm>>
    %dma_start3A_440 = tpu.memref_squeeze %dma_start3A_439 : memref<1x100000x32xf32, #tpu.memory_space<hbm>> -> memref<100000x32xf32, #tpu.memory_space<hbm>>
    %dma_start3A_441 = arith.constant 0 : i32
    %dma_start3A_442 = arith.constant 0 : i32
    %dma_start3A_443 = tpu.memref_slice %dma_start3A_440[%dma_start3A_441, %dma_start3A_442] : memref<100000x32xf32, #tpu.memory_space<hbm>> -> memref<100000x32xf32, #tpu.memory_space<hbm>>
    tpu.enqueue_indirect_dma source(%dma_start3A_443 : memref<100000x32xf32, #tpu.memory_space<hbm>>) target(%dma_start3A_433 : memref<128x32xf32, #tpu.memory_space<vmem>>) offsets(%dma_start3A_436 : memref<128xi32, #tpu.memory_space<vmem>>) semaphore(%arg8 : memref<!tpu.dma_semaphore, #tpu.memory_space<semaphore_mem>>)
    %dma_wait3A = arith.constant 0 : i32
    %dma_wait3A_444 = arith.constant 0 : i32
    %dma_wait3A_445 = arith.constant 0 : i32
    %dma_wait3A_446 = arith.constant 0 : i32
    %dma_wait3A_447 = arith.constant 0 : i32
    %dma_wait3A_448 = tpu.memref_slice %arg6[%dma_wait3A_445, %dma_wait3A_446, %dma_wait3A_447] : memref<26x128x32xf32, #tpu.memory_space<vmem>> -> memref<1x128x32xf32, #tpu.memory_space<vmem>>
    %dma_wait3A_449 = tpu.memref_squeeze %dma_wait3A_448 : memref<1x128x32xf32, #tpu.memory_space<vmem>> -> memref<128x32xf32, #tpu.memory_space<vmem>>
    %dma_wait3A_450 = arith.constant 0 : i32
    %dma_wait3A_451 = tpu.memref_slice %arg5[%dma_wait3A_444, %dma_wait3A_450] : memref<26x128xi32, #tpu.memory_space<vmem>> -> memref<1x128xi32, #tpu.memory_space<vmem>>
    %dma_wait3A_452 = tpu.memref_squeeze %dma_wait3A_451 : memref<1x128xi32, #tpu.memory_space<vmem>> -> memref<128xi32, #tpu.memory_space<vmem>>
    %dma_wait3A_453 = arith.constant 0 : i32
    %dma_wait3A_454 = arith.constant 0 : i32
    %dma_wait3A_455 = tpu.memref_slice %arg3[%dma_wait3A, %dma_wait3A_453, %dma_wait3A_454] : memref<26x100000x32xf32, #tpu.memory_space<hbm>> -> memref<1x100000x32xf32, #tpu.memory_space<hbm>>
    %dma_wait3A_456 = tpu.memref_squeeze %dma_wait3A_455 : memref<1x100000x32xf32, #tpu.memory_space<hbm>> -> memref<100000x32xf32, #tpu.memory_space<hbm>>
    %dma_wait3A_457 = arith.constant 0 : i32
    %dma_wait3A_458 = arith.constant 0 : i32
    %dma_wait3A_459 = tpu.memref_slice %dma_wait3A_456[%dma_wait3A_457, %dma_wait3A_458] : memref<100000x32xf32, #tpu.memory_space<hbm>> -> memref<100000x32xf32, #tpu.memory_space<hbm>>
    tpu.wait_indirect_dma semaphore(%arg8 : memref<!tpu.dma_semaphore, #tpu.memory_space<semaphore_mem>>) src(%dma_wait3A_459 : memref<100000x32xf32, #tpu.memory_space<hbm>>) dst(%dma_wait3A_449 : memref<128x32xf32, #tpu.memory_space<vmem>>)
    %dma_wait3A_460 = arith.constant 1 : i32
    %dma_wait3A_461 = arith.constant 1 : i32
    %dma_wait3A_462 = arith.constant 1 : i32
    %dma_wait3A_463 = arith.constant 0 : i32
    %dma_wait3A_464 = arith.constant 0 : i32
    %dma_wait3A_465 = tpu.memref_slice %arg6[%dma_wait3A_462, %dma_wait3A_463, %dma_wait3A_464] : memref<26x128x32xf32, #tpu.memory_space<vmem>> -> memref<1x128x32xf32, #tpu.memory_space<vmem>>
    %dma_wait3A_466 = tpu.memref_squeeze %dma_wait3A_465 : memref<1x128x32xf32, #tpu.memory_space<vmem>> -> memref<128x32xf32, #tpu.memory_space<vmem>>
    %dma_wait3A_467 = arith.constant 0 : i32
    %dma_wait3A_468 = tpu.memref_slice %arg5[%dma_wait3A_461, %dma_wait3A_467] : memref<26x128xi32, #tpu.memory_space<vmem>> -> memref<1x128xi32, #tpu.memory_space<vmem>>
    %dma_wait3A_469 = tpu.memref_squeeze %dma_wait3A_468 : memref<1x128xi32, #tpu.memory_space<vmem>> -> memref<128xi32, #tpu.memory_space<vmem>>
    %dma_wait3A_470 = arith.constant 0 : i32
    %dma_wait3A_471 = arith.constant 0 : i32
    %dma_wait3A_472 = tpu.memref_slice %arg3[%dma_wait3A_460, %dma_wait3A_470, %dma_wait3A_471] : memref<26x100000x32xf32, #tpu.memory_space<hbm>> -> memref<1x100000x32xf32, #tpu.memory_space<hbm>>
    %dma_wait3A_473 = tpu.memref_squeeze %dma_wait3A_472 : memref<1x100000x32xf32, #tpu.memory_space<hbm>> -> memref<100000x32xf32, #tpu.memory_space<hbm>>
    %dma_wait3A_474 = arith.constant 0 : i32
    %dma_wait3A_475 = arith.constant 0 : i32
    %dma_wait3A_476 = tpu.memref_slice %dma_wait3A_473[%dma_wait3A_474, %dma_wait3A_475] : memref<100000x32xf32, #tpu.memory_space<hbm>> -> memref<100000x32xf32, #tpu.memory_space<hbm>>
    tpu.wait_indirect_dma semaphore(%arg8 : memref<!tpu.dma_semaphore, #tpu.memory_space<semaphore_mem>>) src(%dma_wait3A_476 : memref<100000x32xf32, #tpu.memory_space<hbm>>) dst(%dma_wait3A_466 : memref<128x32xf32, #tpu.memory_space<vmem>>)
    %dma_wait3A_477 = arith.constant 2 : i32
    %dma_wait3A_478 = arith.constant 2 : i32
    %dma_wait3A_479 = arith.constant 2 : i32
    %dma_wait3A_480 = arith.constant 0 : i32
    %dma_wait3A_481 = arith.constant 0 : i32
    %dma_wait3A_482 = tpu.memref_slice %arg6[%dma_wait3A_479, %dma_wait3A_480, %dma_wait3A_481] : memref<26x128x32xf32, #tpu.memory_space<vmem>> -> memref<1x128x32xf32, #tpu.memory_space<vmem>>
    %dma_wait3A_483 = tpu.memref_squeeze %dma_wait3A_482 : memref<1x128x32xf32, #tpu.memory_space<vmem>> -> memref<128x32xf32, #tpu.memory_space<vmem>>
    %dma_wait3A_484 = arith.constant 0 : i32
    %dma_wait3A_485 = tpu.memref_slice %arg5[%dma_wait3A_478, %dma_wait3A_484] : memref<26x128xi32, #tpu.memory_space<vmem>> -> memref<1x128xi32, #tpu.memory_space<vmem>>
    %dma_wait3A_486 = tpu.memref_squeeze %dma_wait3A_485 : memref<1x128xi32, #tpu.memory_space<vmem>> -> memref<128xi32, #tpu.memory_space<vmem>>
    %dma_wait3A_487 = arith.constant 0 : i32
    %dma_wait3A_488 = arith.constant 0 : i32
    %dma_wait3A_489 = tpu.memref_slice %arg3[%dma_wait3A_477, %dma_wait3A_487, %dma_wait3A_488] : memref<26x100000x32xf32, #tpu.memory_space<hbm>> -> memref<1x100000x32xf32, #tpu.memory_space<hbm>>
    %dma_wait3A_490 = tpu.memref_squeeze %dma_wait3A_489 : memref<1x100000x32xf32, #tpu.memory_space<hbm>> -> memref<100000x32xf32, #tpu.memory_space<hbm>>
    %dma_wait3A_491 = arith.constant 0 : i32
    %dma_wait3A_492 = arith.constant 0 : i32
    %dma_wait3A_493 = tpu.memref_slice %dma_wait3A_490[%dma_wait3A_491, %dma_wait3A_492] : memref<100000x32xf32, #tpu.memory_space<hbm>> -> memref<100000x32xf32, #tpu.memory_space<hbm>>
    tpu.wait_indirect_dma semaphore(%arg8 : memref<!tpu.dma_semaphore, #tpu.memory_space<semaphore_mem>>) src(%dma_wait3A_493 : memref<100000x32xf32, #tpu.memory_space<hbm>>) dst(%dma_wait3A_483 : memref<128x32xf32, #tpu.memory_space<vmem>>)
    %dma_wait3A_494 = arith.constant 3 : i32
    %dma_wait3A_495 = arith.constant 3 : i32
    %dma_wait3A_496 = arith.constant 3 : i32
    %dma_wait3A_497 = arith.constant 0 : i32
    %dma_wait3A_498 = arith.constant 0 : i32
    %dma_wait3A_499 = tpu.memref_slice %arg6[%dma_wait3A_496, %dma_wait3A_497, %dma_wait3A_498] : memref<26x128x32xf32, #tpu.memory_space<vmem>> -> memref<1x128x32xf32, #tpu.memory_space<vmem>>
    %dma_wait3A_500 = tpu.memref_squeeze %dma_wait3A_499 : memref<1x128x32xf32, #tpu.memory_space<vmem>> -> memref<128x32xf32, #tpu.memory_space<vmem>>
    %dma_wait3A_501 = arith.constant 0 : i32
    %dma_wait3A_502 = tpu.memref_slice %arg5[%dma_wait3A_495, %dma_wait3A_501] : memref<26x128xi32, #tpu.memory_space<vmem>> -> memref<1x128xi32, #tpu.memory_space<vmem>>
    %dma_wait3A_503 = tpu.memref_squeeze %dma_wait3A_502 : memref<1x128xi32, #tpu.memory_space<vmem>> -> memref<128xi32, #tpu.memory_space<vmem>>
    %dma_wait3A_504 = arith.constant 0 : i32
    %dma_wait3A_505 = arith.constant 0 : i32
    %dma_wait3A_506 = tpu.memref_slice %arg3[%dma_wait3A_494, %dma_wait3A_504, %dma_wait3A_505] : memref<26x100000x32xf32, #tpu.memory_space<hbm>> -> memref<1x100000x32xf32, #tpu.memory_space<hbm>>
    %dma_wait3A_507 = tpu.memref_squeeze %dma_wait3A_506 : memref<1x100000x32xf32, #tpu.memory_space<hbm>> -> memref<100000x32xf32, #tpu.memory_space<hbm>>
    %dma_wait3A_508 = arith.constant 0 : i32
    %dma_wait3A_509 = arith.constant 0 : i32
    %dma_wait3A_510 = tpu.memref_slice %dma_wait3A_507[%dma_wait3A_508, %dma_wait3A_509] : memref<100000x32xf32, #tpu.memory_space<hbm>> -> memref<100000x32xf32, #tpu.memory_space<hbm>>
    tpu.wait_indirect_dma semaphore(%arg8 : memref<!tpu.dma_semaphore, #tpu.memory_space<semaphore_mem>>) src(%dma_wait3A_510 : memref<100000x32xf32, #tpu.memory_space<hbm>>) dst(%dma_wait3A_500 : memref<128x32xf32, #tpu.memory_space<vmem>>)
    %dma_wait3A_511 = arith.constant 4 : i32
    %dma_wait3A_512 = arith.constant 4 : i32
    %dma_wait3A_513 = arith.constant 4 : i32
    %dma_wait3A_514 = arith.constant 0 : i32
    %dma_wait3A_515 = arith.constant 0 : i32
    %dma_wait3A_516 = tpu.memref_slice %arg6[%dma_wait3A_513, %dma_wait3A_514, %dma_wait3A_515] : memref<26x128x32xf32, #tpu.memory_space<vmem>> -> memref<1x128x32xf32, #tpu.memory_space<vmem>>
    %dma_wait3A_517 = tpu.memref_squeeze %dma_wait3A_516 : memref<1x128x32xf32, #tpu.memory_space<vmem>> -> memref<128x32xf32, #tpu.memory_space<vmem>>
    %dma_wait3A_518 = arith.constant 0 : i32
    %dma_wait3A_519 = tpu.memref_slice %arg5[%dma_wait3A_512, %dma_wait3A_518] : memref<26x128xi32, #tpu.memory_space<vmem>> -> memref<1x128xi32, #tpu.memory_space<vmem>>
    %dma_wait3A_520 = tpu.memref_squeeze %dma_wait3A_519 : memref<1x128xi32, #tpu.memory_space<vmem>> -> memref<128xi32, #tpu.memory_space<vmem>>
    %dma_wait3A_521 = arith.constant 0 : i32
    %dma_wait3A_522 = arith.constant 0 : i32
    %dma_wait3A_523 = tpu.memref_slice %arg3[%dma_wait3A_511, %dma_wait3A_521, %dma_wait3A_522] : memref<26x100000x32xf32, #tpu.memory_space<hbm>> -> memref<1x100000x32xf32, #tpu.memory_space<hbm>>
    %dma_wait3A_524 = tpu.memref_squeeze %dma_wait3A_523 : memref<1x100000x32xf32, #tpu.memory_space<hbm>> -> memref<100000x32xf32, #tpu.memory_space<hbm>>
    %dma_wait3A_525 = arith.constant 0 : i32
    %dma_wait3A_526 = arith.constant 0 : i32
    %dma_wait3A_527 = tpu.memref_slice %dma_wait3A_524[%dma_wait3A_525, %dma_wait3A_526] : memref<100000x32xf32, #tpu.memory_space<hbm>> -> memref<100000x32xf32, #tpu.memory_space<hbm>>
    tpu.wait_indirect_dma semaphore(%arg8 : memref<!tpu.dma_semaphore, #tpu.memory_space<semaphore_mem>>) src(%dma_wait3A_527 : memref<100000x32xf32, #tpu.memory_space<hbm>>) dst(%dma_wait3A_517 : memref<128x32xf32, #tpu.memory_space<vmem>>)
    %dma_wait3A_528 = arith.constant 5 : i32
    %dma_wait3A_529 = arith.constant 5 : i32
    %dma_wait3A_530 = arith.constant 5 : i32
    %dma_wait3A_531 = arith.constant 0 : i32
    %dma_wait3A_532 = arith.constant 0 : i32
    %dma_wait3A_533 = tpu.memref_slice %arg6[%dma_wait3A_530, %dma_wait3A_531, %dma_wait3A_532] : memref<26x128x32xf32, #tpu.memory_space<vmem>> -> memref<1x128x32xf32, #tpu.memory_space<vmem>>
    %dma_wait3A_534 = tpu.memref_squeeze %dma_wait3A_533 : memref<1x128x32xf32, #tpu.memory_space<vmem>> -> memref<128x32xf32, #tpu.memory_space<vmem>>
    %dma_wait3A_535 = arith.constant 0 : i32
    %dma_wait3A_536 = tpu.memref_slice %arg5[%dma_wait3A_529, %dma_wait3A_535] : memref<26x128xi32, #tpu.memory_space<vmem>> -> memref<1x128xi32, #tpu.memory_space<vmem>>
    %dma_wait3A_537 = tpu.memref_squeeze %dma_wait3A_536 : memref<1x128xi32, #tpu.memory_space<vmem>> -> memref<128xi32, #tpu.memory_space<vmem>>
    %dma_wait3A_538 = arith.constant 0 : i32
    %dma_wait3A_539 = arith.constant 0 : i32
    %dma_wait3A_540 = tpu.memref_slice %arg3[%dma_wait3A_528, %dma_wait3A_538, %dma_wait3A_539] : memref<26x100000x32xf32, #tpu.memory_space<hbm>> -> memref<1x100000x32xf32, #tpu.memory_space<hbm>>
    %dma_wait3A_541 = tpu.memref_squeeze %dma_wait3A_540 : memref<1x100000x32xf32, #tpu.memory_space<hbm>> -> memref<100000x32xf32, #tpu.memory_space<hbm>>
    %dma_wait3A_542 = arith.constant 0 : i32
    %dma_wait3A_543 = arith.constant 0 : i32
    %dma_wait3A_544 = tpu.memref_slice %dma_wait3A_541[%dma_wait3A_542, %dma_wait3A_543] : memref<100000x32xf32, #tpu.memory_space<hbm>> -> memref<100000x32xf32, #tpu.memory_space<hbm>>
    tpu.wait_indirect_dma semaphore(%arg8 : memref<!tpu.dma_semaphore, #tpu.memory_space<semaphore_mem>>) src(%dma_wait3A_544 : memref<100000x32xf32, #tpu.memory_space<hbm>>) dst(%dma_wait3A_534 : memref<128x32xf32, #tpu.memory_space<vmem>>)
    %dma_wait3A_545 = arith.constant 6 : i32
    %dma_wait3A_546 = arith.constant 6 : i32
    %dma_wait3A_547 = arith.constant 6 : i32
    %dma_wait3A_548 = arith.constant 0 : i32
    %dma_wait3A_549 = arith.constant 0 : i32
    %dma_wait3A_550 = tpu.memref_slice %arg6[%dma_wait3A_547, %dma_wait3A_548, %dma_wait3A_549] : memref<26x128x32xf32, #tpu.memory_space<vmem>> -> memref<1x128x32xf32, #tpu.memory_space<vmem>>
    %dma_wait3A_551 = tpu.memref_squeeze %dma_wait3A_550 : memref<1x128x32xf32, #tpu.memory_space<vmem>> -> memref<128x32xf32, #tpu.memory_space<vmem>>
    %dma_wait3A_552 = arith.constant 0 : i32
    %dma_wait3A_553 = tpu.memref_slice %arg5[%dma_wait3A_546, %dma_wait3A_552] : memref<26x128xi32, #tpu.memory_space<vmem>> -> memref<1x128xi32, #tpu.memory_space<vmem>>
    %dma_wait3A_554 = tpu.memref_squeeze %dma_wait3A_553 : memref<1x128xi32, #tpu.memory_space<vmem>> -> memref<128xi32, #tpu.memory_space<vmem>>
    %dma_wait3A_555 = arith.constant 0 : i32
    %dma_wait3A_556 = arith.constant 0 : i32
    %dma_wait3A_557 = tpu.memref_slice %arg3[%dma_wait3A_545, %dma_wait3A_555, %dma_wait3A_556] : memref<26x100000x32xf32, #tpu.memory_space<hbm>> -> memref<1x100000x32xf32, #tpu.memory_space<hbm>>
    %dma_wait3A_558 = tpu.memref_squeeze %dma_wait3A_557 : memref<1x100000x32xf32, #tpu.memory_space<hbm>> -> memref<100000x32xf32, #tpu.memory_space<hbm>>
    %dma_wait3A_559 = arith.constant 0 : i32
    %dma_wait3A_560 = arith.constant 0 : i32
    %dma_wait3A_561 = tpu.memref_slice %dma_wait3A_558[%dma_wait3A_559, %dma_wait3A_560] : memref<100000x32xf32, #tpu.memory_space<hbm>> -> memref<100000x32xf32, #tpu.memory_space<hbm>>
    tpu.wait_indirect_dma semaphore(%arg8 : memref<!tpu.dma_semaphore, #tpu.memory_space<semaphore_mem>>) src(%dma_wait3A_561 : memref<100000x32xf32, #tpu.memory_space<hbm>>) dst(%dma_wait3A_551 : memref<128x32xf32, #tpu.memory_space<vmem>>)
    %dma_wait3A_562 = arith.constant 7 : i32
    %dma_wait3A_563 = arith.constant 7 : i32
    %dma_wait3A_564 = arith.constant 7 : i32
    %dma_wait3A_565 = arith.constant 0 : i32
    %dma_wait3A_566 = arith.constant 0 : i32
    %dma_wait3A_567 = tpu.memref_slice %arg6[%dma_wait3A_564, %dma_wait3A_565, %dma_wait3A_566] : memref<26x128x32xf32, #tpu.memory_space<vmem>> -> memref<1x128x32xf32, #tpu.memory_space<vmem>>
    %dma_wait3A_568 = tpu.memref_squeeze %dma_wait3A_567 : memref<1x128x32xf32, #tpu.memory_space<vmem>> -> memref<128x32xf32, #tpu.memory_space<vmem>>
    %dma_wait3A_569 = arith.constant 0 : i32
    %dma_wait3A_570 = tpu.memref_slice %arg5[%dma_wait3A_563, %dma_wait3A_569] : memref<26x128xi32, #tpu.memory_space<vmem>> -> memref<1x128xi32, #tpu.memory_space<vmem>>
    %dma_wait3A_571 = tpu.memref_squeeze %dma_wait3A_570 : memref<1x128xi32, #tpu.memory_space<vmem>> -> memref<128xi32, #tpu.memory_space<vmem>>
    %dma_wait3A_572 = arith.constant 0 : i32
    %dma_wait3A_573 = arith.constant 0 : i32
    %dma_wait3A_574 = tpu.memref_slice %arg3[%dma_wait3A_562, %dma_wait3A_572, %dma_wait3A_573] : memref<26x100000x32xf32, #tpu.memory_space<hbm>> -> memref<1x100000x32xf32, #tpu.memory_space<hbm>>
    %dma_wait3A_575 = tpu.memref_squeeze %dma_wait3A_574 : memref<1x100000x32xf32, #tpu.memory_space<hbm>> -> memref<100000x32xf32, #tpu.memory_space<hbm>>
    %dma_wait3A_576 = arith.constant 0 : i32
    %dma_wait3A_577 = arith.constant 0 : i32
    %dma_wait3A_578 = tpu.memref_slice %dma_wait3A_575[%dma_wait3A_576, %dma_wait3A_577] : memref<100000x32xf32, #tpu.memory_space<hbm>> -> memref<100000x32xf32, #tpu.memory_space<hbm>>
    tpu.wait_indirect_dma semaphore(%arg8 : memref<!tpu.dma_semaphore, #tpu.memory_space<semaphore_mem>>) src(%dma_wait3A_578 : memref<100000x32xf32, #tpu.memory_space<hbm>>) dst(%dma_wait3A_568 : memref<128x32xf32, #tpu.memory_space<vmem>>)
    %dma_wait3A_579 = arith.constant 8 : i32
    %dma_wait3A_580 = arith.constant 8 : i32
    %dma_wait3A_581 = arith.constant 8 : i32
    %dma_wait3A_582 = arith.constant 0 : i32
    %dma_wait3A_583 = arith.constant 0 : i32
    %dma_wait3A_584 = tpu.memref_slice %arg6[%dma_wait3A_581, %dma_wait3A_582, %dma_wait3A_583] : memref<26x128x32xf32, #tpu.memory_space<vmem>> -> memref<1x128x32xf32, #tpu.memory_space<vmem>>
    %dma_wait3A_585 = tpu.memref_squeeze %dma_wait3A_584 : memref<1x128x32xf32, #tpu.memory_space<vmem>> -> memref<128x32xf32, #tpu.memory_space<vmem>>
    %dma_wait3A_586 = arith.constant 0 : i32
    %dma_wait3A_587 = tpu.memref_slice %arg5[%dma_wait3A_580, %dma_wait3A_586] : memref<26x128xi32, #tpu.memory_space<vmem>> -> memref<1x128xi32, #tpu.memory_space<vmem>>
    %dma_wait3A_588 = tpu.memref_squeeze %dma_wait3A_587 : memref<1x128xi32, #tpu.memory_space<vmem>> -> memref<128xi32, #tpu.memory_space<vmem>>
    %dma_wait3A_589 = arith.constant 0 : i32
    %dma_wait3A_590 = arith.constant 0 : i32
    %dma_wait3A_591 = tpu.memref_slice %arg3[%dma_wait3A_579, %dma_wait3A_589, %dma_wait3A_590] : memref<26x100000x32xf32, #tpu.memory_space<hbm>> -> memref<1x100000x32xf32, #tpu.memory_space<hbm>>
    %dma_wait3A_592 = tpu.memref_squeeze %dma_wait3A_591 : memref<1x100000x32xf32, #tpu.memory_space<hbm>> -> memref<100000x32xf32, #tpu.memory_space<hbm>>
    %dma_wait3A_593 = arith.constant 0 : i32
    %dma_wait3A_594 = arith.constant 0 : i32
    %dma_wait3A_595 = tpu.memref_slice %dma_wait3A_592[%dma_wait3A_593, %dma_wait3A_594] : memref<100000x32xf32, #tpu.memory_space<hbm>> -> memref<100000x32xf32, #tpu.memory_space<hbm>>
    tpu.wait_indirect_dma semaphore(%arg8 : memref<!tpu.dma_semaphore, #tpu.memory_space<semaphore_mem>>) src(%dma_wait3A_595 : memref<100000x32xf32, #tpu.memory_space<hbm>>) dst(%dma_wait3A_585 : memref<128x32xf32, #tpu.memory_space<vmem>>)
    %dma_wait3A_596 = arith.constant 9 : i32
    %dma_wait3A_597 = arith.constant 9 : i32
    %dma_wait3A_598 = arith.constant 9 : i32
    %dma_wait3A_599 = arith.constant 0 : i32
    %dma_wait3A_600 = arith.constant 0 : i32
    %dma_wait3A_601 = tpu.memref_slice %arg6[%dma_wait3A_598, %dma_wait3A_599, %dma_wait3A_600] : memref<26x128x32xf32, #tpu.memory_space<vmem>> -> memref<1x128x32xf32, #tpu.memory_space<vmem>>
    %dma_wait3A_602 = tpu.memref_squeeze %dma_wait3A_601 : memref<1x128x32xf32, #tpu.memory_space<vmem>> -> memref<128x32xf32, #tpu.memory_space<vmem>>
    %dma_wait3A_603 = arith.constant 0 : i32
    %dma_wait3A_604 = tpu.memref_slice %arg5[%dma_wait3A_597, %dma_wait3A_603] : memref<26x128xi32, #tpu.memory_space<vmem>> -> memref<1x128xi32, #tpu.memory_space<vmem>>
    %dma_wait3A_605 = tpu.memref_squeeze %dma_wait3A_604 : memref<1x128xi32, #tpu.memory_space<vmem>> -> memref<128xi32, #tpu.memory_space<vmem>>
    %dma_wait3A_606 = arith.constant 0 : i32
    %dma_wait3A_607 = arith.constant 0 : i32
    %dma_wait3A_608 = tpu.memref_slice %arg3[%dma_wait3A_596, %dma_wait3A_606, %dma_wait3A_607] : memref<26x100000x32xf32, #tpu.memory_space<hbm>> -> memref<1x100000x32xf32, #tpu.memory_space<hbm>>
    %dma_wait3A_609 = tpu.memref_squeeze %dma_wait3A_608 : memref<1x100000x32xf32, #tpu.memory_space<hbm>> -> memref<100000x32xf32, #tpu.memory_space<hbm>>
    %dma_wait3A_610 = arith.constant 0 : i32
    %dma_wait3A_611 = arith.constant 0 : i32
    %dma_wait3A_612 = tpu.memref_slice %dma_wait3A_609[%dma_wait3A_610, %dma_wait3A_611] : memref<100000x32xf32, #tpu.memory_space<hbm>> -> memref<100000x32xf32, #tpu.memory_space<hbm>>
    tpu.wait_indirect_dma semaphore(%arg8 : memref<!tpu.dma_semaphore, #tpu.memory_space<semaphore_mem>>) src(%dma_wait3A_612 : memref<100000x32xf32, #tpu.memory_space<hbm>>) dst(%dma_wait3A_602 : memref<128x32xf32, #tpu.memory_space<vmem>>)
    %dma_wait3A_613 = arith.constant 10 : i32
    %dma_wait3A_614 = arith.constant 10 : i32
    %dma_wait3A_615 = arith.constant 10 : i32
    %dma_wait3A_616 = arith.constant 0 : i32
    %dma_wait3A_617 = arith.constant 0 : i32
    %dma_wait3A_618 = tpu.memref_slice %arg6[%dma_wait3A_615, %dma_wait3A_616, %dma_wait3A_617] : memref<26x128x32xf32, #tpu.memory_space<vmem>> -> memref<1x128x32xf32, #tpu.memory_space<vmem>>
    %dma_wait3A_619 = tpu.memref_squeeze %dma_wait3A_618 : memref<1x128x32xf32, #tpu.memory_space<vmem>> -> memref<128x32xf32, #tpu.memory_space<vmem>>
    %dma_wait3A_620 = arith.constant 0 : i32
    %dma_wait3A_621 = tpu.memref_slice %arg5[%dma_wait3A_614, %dma_wait3A_620] : memref<26x128xi32, #tpu.memory_space<vmem>> -> memref<1x128xi32, #tpu.memory_space<vmem>>
    %dma_wait3A_622 = tpu.memref_squeeze %dma_wait3A_621 : memref<1x128xi32, #tpu.memory_space<vmem>> -> memref<128xi32, #tpu.memory_space<vmem>>
    %dma_wait3A_623 = arith.constant 0 : i32
    %dma_wait3A_624 = arith.constant 0 : i32
    %dma_wait3A_625 = tpu.memref_slice %arg3[%dma_wait3A_613, %dma_wait3A_623, %dma_wait3A_624] : memref<26x100000x32xf32, #tpu.memory_space<hbm>> -> memref<1x100000x32xf32, #tpu.memory_space<hbm>>
    %dma_wait3A_626 = tpu.memref_squeeze %dma_wait3A_625 : memref<1x100000x32xf32, #tpu.memory_space<hbm>> -> memref<100000x32xf32, #tpu.memory_space<hbm>>
    %dma_wait3A_627 = arith.constant 0 : i32
    %dma_wait3A_628 = arith.constant 0 : i32
    %dma_wait3A_629 = tpu.memref_slice %dma_wait3A_626[%dma_wait3A_627, %dma_wait3A_628] : memref<100000x32xf32, #tpu.memory_space<hbm>> -> memref<100000x32xf32, #tpu.memory_space<hbm>>
    tpu.wait_indirect_dma semaphore(%arg8 : memref<!tpu.dma_semaphore, #tpu.memory_space<semaphore_mem>>) src(%dma_wait3A_629 : memref<100000x32xf32, #tpu.memory_space<hbm>>) dst(%dma_wait3A_619 : memref<128x32xf32, #tpu.memory_space<vmem>>)
    %dma_wait3A_630 = arith.constant 11 : i32
    %dma_wait3A_631 = arith.constant 11 : i32
    %dma_wait3A_632 = arith.constant 11 : i32
    %dma_wait3A_633 = arith.constant 0 : i32
    %dma_wait3A_634 = arith.constant 0 : i32
    %dma_wait3A_635 = tpu.memref_slice %arg6[%dma_wait3A_632, %dma_wait3A_633, %dma_wait3A_634] : memref<26x128x32xf32, #tpu.memory_space<vmem>> -> memref<1x128x32xf32, #tpu.memory_space<vmem>>
    %dma_wait3A_636 = tpu.memref_squeeze %dma_wait3A_635 : memref<1x128x32xf32, #tpu.memory_space<vmem>> -> memref<128x32xf32, #tpu.memory_space<vmem>>
    %dma_wait3A_637 = arith.constant 0 : i32
    %dma_wait3A_638 = tpu.memref_slice %arg5[%dma_wait3A_631, %dma_wait3A_637] : memref<26x128xi32, #tpu.memory_space<vmem>> -> memref<1x128xi32, #tpu.memory_space<vmem>>
    %dma_wait3A_639 = tpu.memref_squeeze %dma_wait3A_638 : memref<1x128xi32, #tpu.memory_space<vmem>> -> memref<128xi32, #tpu.memory_space<vmem>>
    %dma_wait3A_640 = arith.constant 0 : i32
    %dma_wait3A_641 = arith.constant 0 : i32
    %dma_wait3A_642 = tpu.memref_slice %arg3[%dma_wait3A_630, %dma_wait3A_640, %dma_wait3A_641] : memref<26x100000x32xf32, #tpu.memory_space<hbm>> -> memref<1x100000x32xf32, #tpu.memory_space<hbm>>
    %dma_wait3A_643 = tpu.memref_squeeze %dma_wait3A_642 : memref<1x100000x32xf32, #tpu.memory_space<hbm>> -> memref<100000x32xf32, #tpu.memory_space<hbm>>
    %dma_wait3A_644 = arith.constant 0 : i32
    %dma_wait3A_645 = arith.constant 0 : i32
    %dma_wait3A_646 = tpu.memref_slice %dma_wait3A_643[%dma_wait3A_644, %dma_wait3A_645] : memref<100000x32xf32, #tpu.memory_space<hbm>> -> memref<100000x32xf32, #tpu.memory_space<hbm>>
    tpu.wait_indirect_dma semaphore(%arg8 : memref<!tpu.dma_semaphore, #tpu.memory_space<semaphore_mem>>) src(%dma_wait3A_646 : memref<100000x32xf32, #tpu.memory_space<hbm>>) dst(%dma_wait3A_636 : memref<128x32xf32, #tpu.memory_space<vmem>>)
    %dma_wait3A_647 = arith.constant 12 : i32
    %dma_wait3A_648 = arith.constant 12 : i32
    %dma_wait3A_649 = arith.constant 12 : i32
    %dma_wait3A_650 = arith.constant 0 : i32
    %dma_wait3A_651 = arith.constant 0 : i32
    %dma_wait3A_652 = tpu.memref_slice %arg6[%dma_wait3A_649, %dma_wait3A_650, %dma_wait3A_651] : memref<26x128x32xf32, #tpu.memory_space<vmem>> -> memref<1x128x32xf32, #tpu.memory_space<vmem>>
    %dma_wait3A_653 = tpu.memref_squeeze %dma_wait3A_652 : memref<1x128x32xf32, #tpu.memory_space<vmem>> -> memref<128x32xf32, #tpu.memory_space<vmem>>
    %dma_wait3A_654 = arith.constant 0 : i32
    %dma_wait3A_655 = tpu.memref_slice %arg5[%dma_wait3A_648, %dma_wait3A_654] : memref<26x128xi32, #tpu.memory_space<vmem>> -> memref<1x128xi32, #tpu.memory_space<vmem>>
    %dma_wait3A_656 = tpu.memref_squeeze %dma_wait3A_655 : memref<1x128xi32, #tpu.memory_space<vmem>> -> memref<128xi32, #tpu.memory_space<vmem>>
    %dma_wait3A_657 = arith.constant 0 : i32
    %dma_wait3A_658 = arith.constant 0 : i32
    %dma_wait3A_659 = tpu.memref_slice %arg3[%dma_wait3A_647, %dma_wait3A_657, %dma_wait3A_658] : memref<26x100000x32xf32, #tpu.memory_space<hbm>> -> memref<1x100000x32xf32, #tpu.memory_space<hbm>>
    %dma_wait3A_660 = tpu.memref_squeeze %dma_wait3A_659 : memref<1x100000x32xf32, #tpu.memory_space<hbm>> -> memref<100000x32xf32, #tpu.memory_space<hbm>>
    %dma_wait3A_661 = arith.constant 0 : i32
    %dma_wait3A_662 = arith.constant 0 : i32
    %dma_wait3A_663 = tpu.memref_slice %dma_wait3A_660[%dma_wait3A_661, %dma_wait3A_662] : memref<100000x32xf32, #tpu.memory_space<hbm>> -> memref<100000x32xf32, #tpu.memory_space<hbm>>
    tpu.wait_indirect_dma semaphore(%arg8 : memref<!tpu.dma_semaphore, #tpu.memory_space<semaphore_mem>>) src(%dma_wait3A_663 : memref<100000x32xf32, #tpu.memory_space<hbm>>) dst(%dma_wait3A_653 : memref<128x32xf32, #tpu.memory_space<vmem>>)
    %dma_wait3A_664 = arith.constant 13 : i32
    %dma_wait3A_665 = arith.constant 13 : i32
    %dma_wait3A_666 = arith.constant 13 : i32
    %dma_wait3A_667 = arith.constant 0 : i32
    %dma_wait3A_668 = arith.constant 0 : i32
    %dma_wait3A_669 = tpu.memref_slice %arg6[%dma_wait3A_666, %dma_wait3A_667, %dma_wait3A_668] : memref<26x128x32xf32, #tpu.memory_space<vmem>> -> memref<1x128x32xf32, #tpu.memory_space<vmem>>
    %dma_wait3A_670 = tpu.memref_squeeze %dma_wait3A_669 : memref<1x128x32xf32, #tpu.memory_space<vmem>> -> memref<128x32xf32, #tpu.memory_space<vmem>>
    %dma_wait3A_671 = arith.constant 0 : i32
    %dma_wait3A_672 = tpu.memref_slice %arg5[%dma_wait3A_665, %dma_wait3A_671] : memref<26x128xi32, #tpu.memory_space<vmem>> -> memref<1x128xi32, #tpu.memory_space<vmem>>
    %dma_wait3A_673 = tpu.memref_squeeze %dma_wait3A_672 : memref<1x128xi32, #tpu.memory_space<vmem>> -> memref<128xi32, #tpu.memory_space<vmem>>
    %dma_wait3A_674 = arith.constant 0 : i32
    %dma_wait3A_675 = arith.constant 0 : i32
    %dma_wait3A_676 = tpu.memref_slice %arg3[%dma_wait3A_664, %dma_wait3A_674, %dma_wait3A_675] : memref<26x100000x32xf32, #tpu.memory_space<hbm>> -> memref<1x100000x32xf32, #tpu.memory_space<hbm>>
    %dma_wait3A_677 = tpu.memref_squeeze %dma_wait3A_676 : memref<1x100000x32xf32, #tpu.memory_space<hbm>> -> memref<100000x32xf32, #tpu.memory_space<hbm>>
    %dma_wait3A_678 = arith.constant 0 : i32
    %dma_wait3A_679 = arith.constant 0 : i32
    %dma_wait3A_680 = tpu.memref_slice %dma_wait3A_677[%dma_wait3A_678, %dma_wait3A_679] : memref<100000x32xf32, #tpu.memory_space<hbm>> -> memref<100000x32xf32, #tpu.memory_space<hbm>>
    tpu.wait_indirect_dma semaphore(%arg8 : memref<!tpu.dma_semaphore, #tpu.memory_space<semaphore_mem>>) src(%dma_wait3A_680 : memref<100000x32xf32, #tpu.memory_space<hbm>>) dst(%dma_wait3A_670 : memref<128x32xf32, #tpu.memory_space<vmem>>)
    %dma_wait3A_681 = arith.constant 14 : i32
    %dma_wait3A_682 = arith.constant 14 : i32
    %dma_wait3A_683 = arith.constant 14 : i32
    %dma_wait3A_684 = arith.constant 0 : i32
    %dma_wait3A_685 = arith.constant 0 : i32
    %dma_wait3A_686 = tpu.memref_slice %arg6[%dma_wait3A_683, %dma_wait3A_684, %dma_wait3A_685] : memref<26x128x32xf32, #tpu.memory_space<vmem>> -> memref<1x128x32xf32, #tpu.memory_space<vmem>>
    %dma_wait3A_687 = tpu.memref_squeeze %dma_wait3A_686 : memref<1x128x32xf32, #tpu.memory_space<vmem>> -> memref<128x32xf32, #tpu.memory_space<vmem>>
    %dma_wait3A_688 = arith.constant 0 : i32
    %dma_wait3A_689 = tpu.memref_slice %arg5[%dma_wait3A_682, %dma_wait3A_688] : memref<26x128xi32, #tpu.memory_space<vmem>> -> memref<1x128xi32, #tpu.memory_space<vmem>>
    %dma_wait3A_690 = tpu.memref_squeeze %dma_wait3A_689 : memref<1x128xi32, #tpu.memory_space<vmem>> -> memref<128xi32, #tpu.memory_space<vmem>>
    %dma_wait3A_691 = arith.constant 0 : i32
    %dma_wait3A_692 = arith.constant 0 : i32
    %dma_wait3A_693 = tpu.memref_slice %arg3[%dma_wait3A_681, %dma_wait3A_691, %dma_wait3A_692] : memref<26x100000x32xf32, #tpu.memory_space<hbm>> -> memref<1x100000x32xf32, #tpu.memory_space<hbm>>
    %dma_wait3A_694 = tpu.memref_squeeze %dma_wait3A_693 : memref<1x100000x32xf32, #tpu.memory_space<hbm>> -> memref<100000x32xf32, #tpu.memory_space<hbm>>
    %dma_wait3A_695 = arith.constant 0 : i32
    %dma_wait3A_696 = arith.constant 0 : i32
    %dma_wait3A_697 = tpu.memref_slice %dma_wait3A_694[%dma_wait3A_695, %dma_wait3A_696] : memref<100000x32xf32, #tpu.memory_space<hbm>> -> memref<100000x32xf32, #tpu.memory_space<hbm>>
    tpu.wait_indirect_dma semaphore(%arg8 : memref<!tpu.dma_semaphore, #tpu.memory_space<semaphore_mem>>) src(%dma_wait3A_697 : memref<100000x32xf32, #tpu.memory_space<hbm>>) dst(%dma_wait3A_687 : memref<128x32xf32, #tpu.memory_space<vmem>>)
    %dma_wait3A_698 = arith.constant 15 : i32
    %dma_wait3A_699 = arith.constant 15 : i32
    %dma_wait3A_700 = arith.constant 15 : i32
    %dma_wait3A_701 = arith.constant 0 : i32
    %dma_wait3A_702 = arith.constant 0 : i32
    %dma_wait3A_703 = tpu.memref_slice %arg6[%dma_wait3A_700, %dma_wait3A_701, %dma_wait3A_702] : memref<26x128x32xf32, #tpu.memory_space<vmem>> -> memref<1x128x32xf32, #tpu.memory_space<vmem>>
    %dma_wait3A_704 = tpu.memref_squeeze %dma_wait3A_703 : memref<1x128x32xf32, #tpu.memory_space<vmem>> -> memref<128x32xf32, #tpu.memory_space<vmem>>
    %dma_wait3A_705 = arith.constant 0 : i32
    %dma_wait3A_706 = tpu.memref_slice %arg5[%dma_wait3A_699, %dma_wait3A_705] : memref<26x128xi32, #tpu.memory_space<vmem>> -> memref<1x128xi32, #tpu.memory_space<vmem>>
    %dma_wait3A_707 = tpu.memref_squeeze %dma_wait3A_706 : memref<1x128xi32, #tpu.memory_space<vmem>> -> memref<128xi32, #tpu.memory_space<vmem>>
    %dma_wait3A_708 = arith.constant 0 : i32
    %dma_wait3A_709 = arith.constant 0 : i32
    %dma_wait3A_710 = tpu.memref_slice %arg3[%dma_wait3A_698, %dma_wait3A_708, %dma_wait3A_709] : memref<26x100000x32xf32, #tpu.memory_space<hbm>> -> memref<1x100000x32xf32, #tpu.memory_space<hbm>>
    %dma_wait3A_711 = tpu.memref_squeeze %dma_wait3A_710 : memref<1x100000x32xf32, #tpu.memory_space<hbm>> -> memref<100000x32xf32, #tpu.memory_space<hbm>>
    %dma_wait3A_712 = arith.constant 0 : i32
    %dma_wait3A_713 = arith.constant 0 : i32
    %dma_wait3A_714 = tpu.memref_slice %dma_wait3A_711[%dma_wait3A_712, %dma_wait3A_713] : memref<100000x32xf32, #tpu.memory_space<hbm>> -> memref<100000x32xf32, #tpu.memory_space<hbm>>
    tpu.wait_indirect_dma semaphore(%arg8 : memref<!tpu.dma_semaphore, #tpu.memory_space<semaphore_mem>>) src(%dma_wait3A_714 : memref<100000x32xf32, #tpu.memory_space<hbm>>) dst(%dma_wait3A_704 : memref<128x32xf32, #tpu.memory_space<vmem>>)
    %dma_wait3A_715 = arith.constant 16 : i32
    %dma_wait3A_716 = arith.constant 16 : i32
    %dma_wait3A_717 = arith.constant 16 : i32
    %dma_wait3A_718 = arith.constant 0 : i32
    %dma_wait3A_719 = arith.constant 0 : i32
    %dma_wait3A_720 = tpu.memref_slice %arg6[%dma_wait3A_717, %dma_wait3A_718, %dma_wait3A_719] : memref<26x128x32xf32, #tpu.memory_space<vmem>> -> memref<1x128x32xf32, #tpu.memory_space<vmem>>
    %dma_wait3A_721 = tpu.memref_squeeze %dma_wait3A_720 : memref<1x128x32xf32, #tpu.memory_space<vmem>> -> memref<128x32xf32, #tpu.memory_space<vmem>>
    %dma_wait3A_722 = arith.constant 0 : i32
    %dma_wait3A_723 = tpu.memref_slice %arg5[%dma_wait3A_716, %dma_wait3A_722] : memref<26x128xi32, #tpu.memory_space<vmem>> -> memref<1x128xi32, #tpu.memory_space<vmem>>
    %dma_wait3A_724 = tpu.memref_squeeze %dma_wait3A_723 : memref<1x128xi32, #tpu.memory_space<vmem>> -> memref<128xi32, #tpu.memory_space<vmem>>
    %dma_wait3A_725 = arith.constant 0 : i32
    %dma_wait3A_726 = arith.constant 0 : i32
    %dma_wait3A_727 = tpu.memref_slice %arg3[%dma_wait3A_715, %dma_wait3A_725, %dma_wait3A_726] : memref<26x100000x32xf32, #tpu.memory_space<hbm>> -> memref<1x100000x32xf32, #tpu.memory_space<hbm>>
    %dma_wait3A_728 = tpu.memref_squeeze %dma_wait3A_727 : memref<1x100000x32xf32, #tpu.memory_space<hbm>> -> memref<100000x32xf32, #tpu.memory_space<hbm>>
    %dma_wait3A_729 = arith.constant 0 : i32
    %dma_wait3A_730 = arith.constant 0 : i32
    %dma_wait3A_731 = tpu.memref_slice %dma_wait3A_728[%dma_wait3A_729, %dma_wait3A_730] : memref<100000x32xf32, #tpu.memory_space<hbm>> -> memref<100000x32xf32, #tpu.memory_space<hbm>>
    tpu.wait_indirect_dma semaphore(%arg8 : memref<!tpu.dma_semaphore, #tpu.memory_space<semaphore_mem>>) src(%dma_wait3A_731 : memref<100000x32xf32, #tpu.memory_space<hbm>>) dst(%dma_wait3A_721 : memref<128x32xf32, #tpu.memory_space<vmem>>)
    %dma_wait3A_732 = arith.constant 17 : i32
    %dma_wait3A_733 = arith.constant 17 : i32
    %dma_wait3A_734 = arith.constant 17 : i32
    %dma_wait3A_735 = arith.constant 0 : i32
    %dma_wait3A_736 = arith.constant 0 : i32
    %dma_wait3A_737 = tpu.memref_slice %arg6[%dma_wait3A_734, %dma_wait3A_735, %dma_wait3A_736] : memref<26x128x32xf32, #tpu.memory_space<vmem>> -> memref<1x128x32xf32, #tpu.memory_space<vmem>>
    %dma_wait3A_738 = tpu.memref_squeeze %dma_wait3A_737 : memref<1x128x32xf32, #tpu.memory_space<vmem>> -> memref<128x32xf32, #tpu.memory_space<vmem>>
    %dma_wait3A_739 = arith.constant 0 : i32
    %dma_wait3A_740 = tpu.memref_slice %arg5[%dma_wait3A_733, %dma_wait3A_739] : memref<26x128xi32, #tpu.memory_space<vmem>> -> memref<1x128xi32, #tpu.memory_space<vmem>>
    %dma_wait3A_741 = tpu.memref_squeeze %dma_wait3A_740 : memref<1x128xi32, #tpu.memory_space<vmem>> -> memref<128xi32, #tpu.memory_space<vmem>>
    %dma_wait3A_742 = arith.constant 0 : i32
    %dma_wait3A_743 = arith.constant 0 : i32
    %dma_wait3A_744 = tpu.memref_slice %arg3[%dma_wait3A_732, %dma_wait3A_742, %dma_wait3A_743] : memref<26x100000x32xf32, #tpu.memory_space<hbm>> -> memref<1x100000x32xf32, #tpu.memory_space<hbm>>
    %dma_wait3A_745 = tpu.memref_squeeze %dma_wait3A_744 : memref<1x100000x32xf32, #tpu.memory_space<hbm>> -> memref<100000x32xf32, #tpu.memory_space<hbm>>
    %dma_wait3A_746 = arith.constant 0 : i32
    %dma_wait3A_747 = arith.constant 0 : i32
    %dma_wait3A_748 = tpu.memref_slice %dma_wait3A_745[%dma_wait3A_746, %dma_wait3A_747] : memref<100000x32xf32, #tpu.memory_space<hbm>> -> memref<100000x32xf32, #tpu.memory_space<hbm>>
    tpu.wait_indirect_dma semaphore(%arg8 : memref<!tpu.dma_semaphore, #tpu.memory_space<semaphore_mem>>) src(%dma_wait3A_748 : memref<100000x32xf32, #tpu.memory_space<hbm>>) dst(%dma_wait3A_738 : memref<128x32xf32, #tpu.memory_space<vmem>>)
    %dma_wait3A_749 = arith.constant 18 : i32
    %dma_wait3A_750 = arith.constant 18 : i32
    %dma_wait3A_751 = arith.constant 18 : i32
    %dma_wait3A_752 = arith.constant 0 : i32
    %dma_wait3A_753 = arith.constant 0 : i32
    %dma_wait3A_754 = tpu.memref_slice %arg6[%dma_wait3A_751, %dma_wait3A_752, %dma_wait3A_753] : memref<26x128x32xf32, #tpu.memory_space<vmem>> -> memref<1x128x32xf32, #tpu.memory_space<vmem>>
    %dma_wait3A_755 = tpu.memref_squeeze %dma_wait3A_754 : memref<1x128x32xf32, #tpu.memory_space<vmem>> -> memref<128x32xf32, #tpu.memory_space<vmem>>
    %dma_wait3A_756 = arith.constant 0 : i32
    %dma_wait3A_757 = tpu.memref_slice %arg5[%dma_wait3A_750, %dma_wait3A_756] : memref<26x128xi32, #tpu.memory_space<vmem>> -> memref<1x128xi32, #tpu.memory_space<vmem>>
    %dma_wait3A_758 = tpu.memref_squeeze %dma_wait3A_757 : memref<1x128xi32, #tpu.memory_space<vmem>> -> memref<128xi32, #tpu.memory_space<vmem>>
    %dma_wait3A_759 = arith.constant 0 : i32
    %dma_wait3A_760 = arith.constant 0 : i32
    %dma_wait3A_761 = tpu.memref_slice %arg3[%dma_wait3A_749, %dma_wait3A_759, %dma_wait3A_760] : memref<26x100000x32xf32, #tpu.memory_space<hbm>> -> memref<1x100000x32xf32, #tpu.memory_space<hbm>>
    %dma_wait3A_762 = tpu.memref_squeeze %dma_wait3A_761 : memref<1x100000x32xf32, #tpu.memory_space<hbm>> -> memref<100000x32xf32, #tpu.memory_space<hbm>>
    %dma_wait3A_763 = arith.constant 0 : i32
    %dma_wait3A_764 = arith.constant 0 : i32
    %dma_wait3A_765 = tpu.memref_slice %dma_wait3A_762[%dma_wait3A_763, %dma_wait3A_764] : memref<100000x32xf32, #tpu.memory_space<hbm>> -> memref<100000x32xf32, #tpu.memory_space<hbm>>
    tpu.wait_indirect_dma semaphore(%arg8 : memref<!tpu.dma_semaphore, #tpu.memory_space<semaphore_mem>>) src(%dma_wait3A_765 : memref<100000x32xf32, #tpu.memory_space<hbm>>) dst(%dma_wait3A_755 : memref<128x32xf32, #tpu.memory_space<vmem>>)
    %dma_wait3A_766 = arith.constant 19 : i32
    %dma_wait3A_767 = arith.constant 19 : i32
    %dma_wait3A_768 = arith.constant 19 : i32
    %dma_wait3A_769 = arith.constant 0 : i32
    %dma_wait3A_770 = arith.constant 0 : i32
    %dma_wait3A_771 = tpu.memref_slice %arg6[%dma_wait3A_768, %dma_wait3A_769, %dma_wait3A_770] : memref<26x128x32xf32, #tpu.memory_space<vmem>> -> memref<1x128x32xf32, #tpu.memory_space<vmem>>
    %dma_wait3A_772 = tpu.memref_squeeze %dma_wait3A_771 : memref<1x128x32xf32, #tpu.memory_space<vmem>> -> memref<128x32xf32, #tpu.memory_space<vmem>>
    %dma_wait3A_773 = arith.constant 0 : i32
    %dma_wait3A_774 = tpu.memref_slice %arg5[%dma_wait3A_767, %dma_wait3A_773] : memref<26x128xi32, #tpu.memory_space<vmem>> -> memref<1x128xi32, #tpu.memory_space<vmem>>
    %dma_wait3A_775 = tpu.memref_squeeze %dma_wait3A_774 : memref<1x128xi32, #tpu.memory_space<vmem>> -> memref<128xi32, #tpu.memory_space<vmem>>
    %dma_wait3A_776 = arith.constant 0 : i32
    %dma_wait3A_777 = arith.constant 0 : i32
    %dma_wait3A_778 = tpu.memref_slice %arg3[%dma_wait3A_766, %dma_wait3A_776, %dma_wait3A_777] : memref<26x100000x32xf32, #tpu.memory_space<hbm>> -> memref<1x100000x32xf32, #tpu.memory_space<hbm>>
    %dma_wait3A_779 = tpu.memref_squeeze %dma_wait3A_778 : memref<1x100000x32xf32, #tpu.memory_space<hbm>> -> memref<100000x32xf32, #tpu.memory_space<hbm>>
    %dma_wait3A_780 = arith.constant 0 : i32
    %dma_wait3A_781 = arith.constant 0 : i32
    %dma_wait3A_782 = tpu.memref_slice %dma_wait3A_779[%dma_wait3A_780, %dma_wait3A_781] : memref<100000x32xf32, #tpu.memory_space<hbm>> -> memref<100000x32xf32, #tpu.memory_space<hbm>>
    tpu.wait_indirect_dma semaphore(%arg8 : memref<!tpu.dma_semaphore, #tpu.memory_space<semaphore_mem>>) src(%dma_wait3A_782 : memref<100000x32xf32, #tpu.memory_space<hbm>>) dst(%dma_wait3A_772 : memref<128x32xf32, #tpu.memory_space<vmem>>)
    %dma_wait3A_783 = arith.constant 20 : i32
    %dma_wait3A_784 = arith.constant 20 : i32
    %dma_wait3A_785 = arith.constant 20 : i32
    %dma_wait3A_786 = arith.constant 0 : i32
    %dma_wait3A_787 = arith.constant 0 : i32
    %dma_wait3A_788 = tpu.memref_slice %arg6[%dma_wait3A_785, %dma_wait3A_786, %dma_wait3A_787] : memref<26x128x32xf32, #tpu.memory_space<vmem>> -> memref<1x128x32xf32, #tpu.memory_space<vmem>>
    %dma_wait3A_789 = tpu.memref_squeeze %dma_wait3A_788 : memref<1x128x32xf32, #tpu.memory_space<vmem>> -> memref<128x32xf32, #tpu.memory_space<vmem>>
    %dma_wait3A_790 = arith.constant 0 : i32
    %dma_wait3A_791 = tpu.memref_slice %arg5[%dma_wait3A_784, %dma_wait3A_790] : memref<26x128xi32, #tpu.memory_space<vmem>> -> memref<1x128xi32, #tpu.memory_space<vmem>>
    %dma_wait3A_792 = tpu.memref_squeeze %dma_wait3A_791 : memref<1x128xi32, #tpu.memory_space<vmem>> -> memref<128xi32, #tpu.memory_space<vmem>>
    %dma_wait3A_793 = arith.constant 0 : i32
    %dma_wait3A_794 = arith.constant 0 : i32
    %dma_wait3A_795 = tpu.memref_slice %arg3[%dma_wait3A_783, %dma_wait3A_793, %dma_wait3A_794] : memref<26x100000x32xf32, #tpu.memory_space<hbm>> -> memref<1x100000x32xf32, #tpu.memory_space<hbm>>
    %dma_wait3A_796 = tpu.memref_squeeze %dma_wait3A_795 : memref<1x100000x32xf32, #tpu.memory_space<hbm>> -> memref<100000x32xf32, #tpu.memory_space<hbm>>
    %dma_wait3A_797 = arith.constant 0 : i32
    %dma_wait3A_798 = arith.constant 0 : i32
    %dma_wait3A_799 = tpu.memref_slice %dma_wait3A_796[%dma_wait3A_797, %dma_wait3A_798] : memref<100000x32xf32, #tpu.memory_space<hbm>> -> memref<100000x32xf32, #tpu.memory_space<hbm>>
    tpu.wait_indirect_dma semaphore(%arg8 : memref<!tpu.dma_semaphore, #tpu.memory_space<semaphore_mem>>) src(%dma_wait3A_799 : memref<100000x32xf32, #tpu.memory_space<hbm>>) dst(%dma_wait3A_789 : memref<128x32xf32, #tpu.memory_space<vmem>>)
    %dma_wait3A_800 = arith.constant 21 : i32
    %dma_wait3A_801 = arith.constant 21 : i32
    %dma_wait3A_802 = arith.constant 21 : i32
    %dma_wait3A_803 = arith.constant 0 : i32
    %dma_wait3A_804 = arith.constant 0 : i32
    %dma_wait3A_805 = tpu.memref_slice %arg6[%dma_wait3A_802, %dma_wait3A_803, %dma_wait3A_804] : memref<26x128x32xf32, #tpu.memory_space<vmem>> -> memref<1x128x32xf32, #tpu.memory_space<vmem>>
    %dma_wait3A_806 = tpu.memref_squeeze %dma_wait3A_805 : memref<1x128x32xf32, #tpu.memory_space<vmem>> -> memref<128x32xf32, #tpu.memory_space<vmem>>
    %dma_wait3A_807 = arith.constant 0 : i32
    %dma_wait3A_808 = tpu.memref_slice %arg5[%dma_wait3A_801, %dma_wait3A_807] : memref<26x128xi32, #tpu.memory_space<vmem>> -> memref<1x128xi32, #tpu.memory_space<vmem>>
    %dma_wait3A_809 = tpu.memref_squeeze %dma_wait3A_808 : memref<1x128xi32, #tpu.memory_space<vmem>> -> memref<128xi32, #tpu.memory_space<vmem>>
    %dma_wait3A_810 = arith.constant 0 : i32
    %dma_wait3A_811 = arith.constant 0 : i32
    %dma_wait3A_812 = tpu.memref_slice %arg3[%dma_wait3A_800, %dma_wait3A_810, %dma_wait3A_811] : memref<26x100000x32xf32, #tpu.memory_space<hbm>> -> memref<1x100000x32xf32, #tpu.memory_space<hbm>>
    %dma_wait3A_813 = tpu.memref_squeeze %dma_wait3A_812 : memref<1x100000x32xf32, #tpu.memory_space<hbm>> -> memref<100000x32xf32, #tpu.memory_space<hbm>>
    %dma_wait3A_814 = arith.constant 0 : i32
    %dma_wait3A_815 = arith.constant 0 : i32
    %dma_wait3A_816 = tpu.memref_slice %dma_wait3A_813[%dma_wait3A_814, %dma_wait3A_815] : memref<100000x32xf32, #tpu.memory_space<hbm>> -> memref<100000x32xf32, #tpu.memory_space<hbm>>
    tpu.wait_indirect_dma semaphore(%arg8 : memref<!tpu.dma_semaphore, #tpu.memory_space<semaphore_mem>>) src(%dma_wait3A_816 : memref<100000x32xf32, #tpu.memory_space<hbm>>) dst(%dma_wait3A_806 : memref<128x32xf32, #tpu.memory_space<vmem>>)
    %dma_wait3A_817 = arith.constant 22 : i32
    %dma_wait3A_818 = arith.constant 22 : i32
    %dma_wait3A_819 = arith.constant 22 : i32
    %dma_wait3A_820 = arith.constant 0 : i32
    %dma_wait3A_821 = arith.constant 0 : i32
    %dma_wait3A_822 = tpu.memref_slice %arg6[%dma_wait3A_819, %dma_wait3A_820, %dma_wait3A_821] : memref<26x128x32xf32, #tpu.memory_space<vmem>> -> memref<1x128x32xf32, #tpu.memory_space<vmem>>
    %dma_wait3A_823 = tpu.memref_squeeze %dma_wait3A_822 : memref<1x128x32xf32, #tpu.memory_space<vmem>> -> memref<128x32xf32, #tpu.memory_space<vmem>>
    %dma_wait3A_824 = arith.constant 0 : i32
    %dma_wait3A_825 = tpu.memref_slice %arg5[%dma_wait3A_818, %dma_wait3A_824] : memref<26x128xi32, #tpu.memory_space<vmem>> -> memref<1x128xi32, #tpu.memory_space<vmem>>
    %dma_wait3A_826 = tpu.memref_squeeze %dma_wait3A_825 : memref<1x128xi32, #tpu.memory_space<vmem>> -> memref<128xi32, #tpu.memory_space<vmem>>
    %dma_wait3A_827 = arith.constant 0 : i32
    %dma_wait3A_828 = arith.constant 0 : i32
    %dma_wait3A_829 = tpu.memref_slice %arg3[%dma_wait3A_817, %dma_wait3A_827, %dma_wait3A_828] : memref<26x100000x32xf32, #tpu.memory_space<hbm>> -> memref<1x100000x32xf32, #tpu.memory_space<hbm>>
    %dma_wait3A_830 = tpu.memref_squeeze %dma_wait3A_829 : memref<1x100000x32xf32, #tpu.memory_space<hbm>> -> memref<100000x32xf32, #tpu.memory_space<hbm>>
    %dma_wait3A_831 = arith.constant 0 : i32
    %dma_wait3A_832 = arith.constant 0 : i32
    %dma_wait3A_833 = tpu.memref_slice %dma_wait3A_830[%dma_wait3A_831, %dma_wait3A_832] : memref<100000x32xf32, #tpu.memory_space<hbm>> -> memref<100000x32xf32, #tpu.memory_space<hbm>>
    tpu.wait_indirect_dma semaphore(%arg8 : memref<!tpu.dma_semaphore, #tpu.memory_space<semaphore_mem>>) src(%dma_wait3A_833 : memref<100000x32xf32, #tpu.memory_space<hbm>>) dst(%dma_wait3A_823 : memref<128x32xf32, #tpu.memory_space<vmem>>)
    %dma_wait3A_834 = arith.constant 23 : i32
    %dma_wait3A_835 = arith.constant 23 : i32
    %dma_wait3A_836 = arith.constant 23 : i32
    %dma_wait3A_837 = arith.constant 0 : i32
    %dma_wait3A_838 = arith.constant 0 : i32
    %dma_wait3A_839 = tpu.memref_slice %arg6[%dma_wait3A_836, %dma_wait3A_837, %dma_wait3A_838] : memref<26x128x32xf32, #tpu.memory_space<vmem>> -> memref<1x128x32xf32, #tpu.memory_space<vmem>>
    %dma_wait3A_840 = tpu.memref_squeeze %dma_wait3A_839 : memref<1x128x32xf32, #tpu.memory_space<vmem>> -> memref<128x32xf32, #tpu.memory_space<vmem>>
    %dma_wait3A_841 = arith.constant 0 : i32
    %dma_wait3A_842 = tpu.memref_slice %arg5[%dma_wait3A_835, %dma_wait3A_841] : memref<26x128xi32, #tpu.memory_space<vmem>> -> memref<1x128xi32, #tpu.memory_space<vmem>>
    %dma_wait3A_843 = tpu.memref_squeeze %dma_wait3A_842 : memref<1x128xi32, #tpu.memory_space<vmem>> -> memref<128xi32, #tpu.memory_space<vmem>>
    %dma_wait3A_844 = arith.constant 0 : i32
    %dma_wait3A_845 = arith.constant 0 : i32
    %dma_wait3A_846 = tpu.memref_slice %arg3[%dma_wait3A_834, %dma_wait3A_844, %dma_wait3A_845] : memref<26x100000x32xf32, #tpu.memory_space<hbm>> -> memref<1x100000x32xf32, #tpu.memory_space<hbm>>
    %dma_wait3A_847 = tpu.memref_squeeze %dma_wait3A_846 : memref<1x100000x32xf32, #tpu.memory_space<hbm>> -> memref<100000x32xf32, #tpu.memory_space<hbm>>
    %dma_wait3A_848 = arith.constant 0 : i32
    %dma_wait3A_849 = arith.constant 0 : i32
    %dma_wait3A_850 = tpu.memref_slice %dma_wait3A_847[%dma_wait3A_848, %dma_wait3A_849] : memref<100000x32xf32, #tpu.memory_space<hbm>> -> memref<100000x32xf32, #tpu.memory_space<hbm>>
    tpu.wait_indirect_dma semaphore(%arg8 : memref<!tpu.dma_semaphore, #tpu.memory_space<semaphore_mem>>) src(%dma_wait3A_850 : memref<100000x32xf32, #tpu.memory_space<hbm>>) dst(%dma_wait3A_840 : memref<128x32xf32, #tpu.memory_space<vmem>>)
    %dma_wait3A_851 = arith.constant 24 : i32
    %dma_wait3A_852 = arith.constant 24 : i32
    %dma_wait3A_853 = arith.constant 24 : i32
    %dma_wait3A_854 = arith.constant 0 : i32
    %dma_wait3A_855 = arith.constant 0 : i32
    %dma_wait3A_856 = tpu.memref_slice %arg6[%dma_wait3A_853, %dma_wait3A_854, %dma_wait3A_855] : memref<26x128x32xf32, #tpu.memory_space<vmem>> -> memref<1x128x32xf32, #tpu.memory_space<vmem>>
    %dma_wait3A_857 = tpu.memref_squeeze %dma_wait3A_856 : memref<1x128x32xf32, #tpu.memory_space<vmem>> -> memref<128x32xf32, #tpu.memory_space<vmem>>
    %dma_wait3A_858 = arith.constant 0 : i32
    %dma_wait3A_859 = tpu.memref_slice %arg5[%dma_wait3A_852, %dma_wait3A_858] : memref<26x128xi32, #tpu.memory_space<vmem>> -> memref<1x128xi32, #tpu.memory_space<vmem>>
    %dma_wait3A_860 = tpu.memref_squeeze %dma_wait3A_859 : memref<1x128xi32, #tpu.memory_space<vmem>> -> memref<128xi32, #tpu.memory_space<vmem>>
    %dma_wait3A_861 = arith.constant 0 : i32
    %dma_wait3A_862 = arith.constant 0 : i32
    %dma_wait3A_863 = tpu.memref_slice %arg3[%dma_wait3A_851, %dma_wait3A_861, %dma_wait3A_862] : memref<26x100000x32xf32, #tpu.memory_space<hbm>> -> memref<1x100000x32xf32, #tpu.memory_space<hbm>>
    %dma_wait3A_864 = tpu.memref_squeeze %dma_wait3A_863 : memref<1x100000x32xf32, #tpu.memory_space<hbm>> -> memref<100000x32xf32, #tpu.memory_space<hbm>>
    %dma_wait3A_865 = arith.constant 0 : i32
    %dma_wait3A_866 = arith.constant 0 : i32
    %dma_wait3A_867 = tpu.memref_slice %dma_wait3A_864[%dma_wait3A_865, %dma_wait3A_866] : memref<100000x32xf32, #tpu.memory_space<hbm>> -> memref<100000x32xf32, #tpu.memory_space<hbm>>
    tpu.wait_indirect_dma semaphore(%arg8 : memref<!tpu.dma_semaphore, #tpu.memory_space<semaphore_mem>>) src(%dma_wait3A_867 : memref<100000x32xf32, #tpu.memory_space<hbm>>) dst(%dma_wait3A_857 : memref<128x32xf32, #tpu.memory_space<vmem>>)
    %dma_wait3A_868 = arith.constant 25 : i32
    %dma_wait3A_869 = arith.constant 25 : i32
    %dma_wait3A_870 = arith.constant 25 : i32
    %dma_wait3A_871 = arith.constant 0 : i32
    %dma_wait3A_872 = arith.constant 0 : i32
    %dma_wait3A_873 = tpu.memref_slice %arg6[%dma_wait3A_870, %dma_wait3A_871, %dma_wait3A_872] : memref<26x128x32xf32, #tpu.memory_space<vmem>> -> memref<1x128x32xf32, #tpu.memory_space<vmem>>
    %dma_wait3A_874 = tpu.memref_squeeze %dma_wait3A_873 : memref<1x128x32xf32, #tpu.memory_space<vmem>> -> memref<128x32xf32, #tpu.memory_space<vmem>>
    %dma_wait3A_875 = arith.constant 0 : i32
    %dma_wait3A_876 = tpu.memref_slice %arg5[%dma_wait3A_869, %dma_wait3A_875] : memref<26x128xi32, #tpu.memory_space<vmem>> -> memref<1x128xi32, #tpu.memory_space<vmem>>
    %dma_wait3A_877 = tpu.memref_squeeze %dma_wait3A_876 : memref<1x128xi32, #tpu.memory_space<vmem>> -> memref<128xi32, #tpu.memory_space<vmem>>
    %dma_wait3A_878 = arith.constant 0 : i32
    %dma_wait3A_879 = arith.constant 0 : i32
    %dma_wait3A_880 = tpu.memref_slice %arg3[%dma_wait3A_868, %dma_wait3A_878, %dma_wait3A_879] : memref<26x100000x32xf32, #tpu.memory_space<hbm>> -> memref<1x100000x32xf32, #tpu.memory_space<hbm>>
    %dma_wait3A_881 = tpu.memref_squeeze %dma_wait3A_880 : memref<1x100000x32xf32, #tpu.memory_space<hbm>> -> memref<100000x32xf32, #tpu.memory_space<hbm>>
    %dma_wait3A_882 = arith.constant 0 : i32
    %dma_wait3A_883 = arith.constant 0 : i32
    %dma_wait3A_884 = tpu.memref_slice %dma_wait3A_881[%dma_wait3A_882, %dma_wait3A_883] : memref<100000x32xf32, #tpu.memory_space<hbm>> -> memref<100000x32xf32, #tpu.memory_space<hbm>>
    tpu.wait_indirect_dma semaphore(%arg8 : memref<!tpu.dma_semaphore, #tpu.memory_space<semaphore_mem>>) src(%dma_wait3A_884 : memref<100000x32xf32, #tpu.memory_space<hbm>>) dst(%dma_wait3A_874 : memref<128x32xf32, #tpu.memory_space<vmem>>)
    %scan3A = arith.constant 0 : i32
    %scan3A_885 = arith.constant 0 : i32
    %scan3A_886 = arith.constant 128 : i32
    %scan3A_887 = arith.addi %scan3A_885, %scan3A_886 : i32
    %scan3A_888 = arith.constant 1 : i32
    scf.for %scan3A_890 = %scan3A_885 to %scan3A_887 step %scan3A_888  : i32 {
      %get3A = arith.constant 0 : i32
      %get3A_891 = arith.index_cast %get3A : i32 to index
      %get3A_892 = arith.index_cast %scan3A_890 : i32 to index
      %get3A_893 = arith.constant 0 : index
      %get3A_894 = tpu.vector_load %arg6[%get3A_891, %get3A_892, %get3A_893] {strides = array<i32>} : memref<26x128x32xf32, #tpu.memory_space<vmem>>, vector<1x1x16xf32>,
      %get3A_895 = vector.shape_cast %get3A_894 : vector<1x1x16xf32> to vector<16xf32>
      %get3A_896 = arith.constant 1 : i32
      %get3A_897 = arith.index_cast %get3A_896 : i32 to index
      %get3A_898 = arith.index_cast %scan3A_890 : i32 to index
      %get3A_899 = arith.constant 0 : index
      %get3A_900 = tpu.vector_load %arg6[%get3A_897, %get3A_898, %get3A_899] {strides = array<i32>} : memref<26x128x32xf32, #tpu.memory_space<vmem>>, vector<1x1x16xf32>,
      %get3A_901 = vector.shape_cast %get3A_900 : vector<1x1x16xf32> to vector<16xf32>
      %add3A_902 = arith.addf %get3A_895, %get3A_901 : vector<16xf32>
      %get3A_903 = arith.constant 2 : i32
      %get3A_904 = arith.index_cast %get3A_903 : i32 to index
      %get3A_905 = arith.index_cast %scan3A_890 : i32 to index
      %get3A_906 = arith.constant 0 : index
      %get3A_907 = tpu.vector_load %arg6[%get3A_904, %get3A_905, %get3A_906] {strides = array<i32>} : memref<26x128x32xf32, #tpu.memory_space<vmem>>, vector<1x1x16xf32>,
      %get3A_908 = vector.shape_cast %get3A_907 : vector<1x1x16xf32> to vector<16xf32>
      %add3A_909 = arith.addf %add3A_902, %get3A_908 : vector<16xf32>
      %get3A_910 = arith.constant 3 : i32
      %get3A_911 = arith.index_cast %get3A_910 : i32 to index
      %get3A_912 = arith.index_cast %scan3A_890 : i32 to index
      %get3A_913 = arith.constant 0 : index
      %get3A_914 = tpu.vector_load %arg6[%get3A_911, %get3A_912, %get3A_913] {strides = array<i32>} : memref<26x128x32xf32, #tpu.memory_space<vmem>>, vector<1x1x16xf32>,
      %get3A_915 = vector.shape_cast %get3A_914 : vector<1x1x16xf32> to vector<16xf32>
      %add3A_916 = arith.addf %add3A_909, %get3A_915 : vector<16xf32>
      %get3A_917 = arith.constant 4 : i32
      %get3A_918 = arith.index_cast %get3A_917 : i32 to index
      %get3A_919 = arith.index_cast %scan3A_890 : i32 to index
      %get3A_920 = arith.constant 0 : index
      %get3A_921 = tpu.vector_load %arg6[%get3A_918, %get3A_919, %get3A_920] {strides = array<i32>} : memref<26x128x32xf32, #tpu.memory_space<vmem>>, vector<1x1x16xf32>,
      %get3A_922 = vector.shape_cast %get3A_921 : vector<1x1x16xf32> to vector<16xf32>
      %add3A_923 = arith.addf %add3A_916, %get3A_922 : vector<16xf32>
      %get3A_924 = arith.constant 5 : i32
      %get3A_925 = arith.index_cast %get3A_924 : i32 to index
      %get3A_926 = arith.index_cast %scan3A_890 : i32 to index
      %get3A_927 = arith.constant 0 : index
      %get3A_928 = tpu.vector_load %arg6[%get3A_925, %get3A_926, %get3A_927] {strides = array<i32>} : memref<26x128x32xf32, #tpu.memory_space<vmem>>, vector<1x1x16xf32>,
      %get3A_929 = vector.shape_cast %get3A_928 : vector<1x1x16xf32> to vector<16xf32>
      %add3A_930 = arith.addf %add3A_923, %get3A_929 : vector<16xf32>
      %get3A_931 = arith.constant 6 : i32
      %get3A_932 = arith.index_cast %get3A_931 : i32 to index
      %get3A_933 = arith.index_cast %scan3A_890 : i32 to index
      %get3A_934 = arith.constant 0 : index
      %get3A_935 = tpu.vector_load %arg6[%get3A_932, %get3A_933, %get3A_934] {strides = array<i32>} : memref<26x128x32xf32, #tpu.memory_space<vmem>>, vector<1x1x16xf32>,
      %get3A_936 = vector.shape_cast %get3A_935 : vector<1x1x16xf32> to vector<16xf32>
      %add3A_937 = arith.addf %add3A_930, %get3A_936 : vector<16xf32>
      %get3A_938 = arith.constant 7 : i32
      %get3A_939 = arith.index_cast %get3A_938 : i32 to index
      %get3A_940 = arith.index_cast %scan3A_890 : i32 to index
      %get3A_941 = arith.constant 0 : index
      %get3A_942 = tpu.vector_load %arg6[%get3A_939, %get3A_940, %get3A_941] {strides = array<i32>} : memref<26x128x32xf32, #tpu.memory_space<vmem>>, vector<1x1x16xf32>,
      %get3A_943 = vector.shape_cast %get3A_942 : vector<1x1x16xf32> to vector<16xf32>
      %add3A_944 = arith.addf %add3A_937, %get3A_943 : vector<16xf32>
      %get3A_945 = arith.constant 8 : i32
      %get3A_946 = arith.index_cast %get3A_945 : i32 to index
      %get3A_947 = arith.index_cast %scan3A_890 : i32 to index
      %get3A_948 = arith.constant 0 : index
      %get3A_949 = tpu.vector_load %arg6[%get3A_946, %get3A_947, %get3A_948] {strides = array<i32>} : memref<26x128x32xf32, #tpu.memory_space<vmem>>, vector<1x1x16xf32>,
      %get3A_950 = vector.shape_cast %get3A_949 : vector<1x1x16xf32> to vector<16xf32>
      %add3A_951 = arith.addf %add3A_944, %get3A_950 : vector<16xf32>
      %get3A_952 = arith.constant 9 : i32
      %get3A_953 = arith.index_cast %get3A_952 : i32 to index
      %get3A_954 = arith.index_cast %scan3A_890 : i32 to index
      %get3A_955 = arith.constant 0 : index
      %get3A_956 = tpu.vector_load %arg6[%get3A_953, %get3A_954, %get3A_955] {strides = array<i32>} : memref<26x128x32xf32, #tpu.memory_space<vmem>>, vector<1x1x16xf32>,
      %get3A_957 = vector.shape_cast %get3A_956 : vector<1x1x16xf32> to vector<16xf32>
      %add3A_958 = arith.addf %add3A_951, %get3A_957 : vector<16xf32>
      %get3A_959 = arith.constant 10 : i32
      %get3A_960 = arith.index_cast %get3A_959 : i32 to index
      %get3A_961 = arith.index_cast %scan3A_890 : i32 to index
      %get3A_962 = arith.constant 0 : index
      %get3A_963 = tpu.vector_load %arg6[%get3A_960, %get3A_961, %get3A_962] {strides = array<i32>} : memref<26x128x32xf32, #tpu.memory_space<vmem>>, vector<1x1x16xf32>,
      %get3A_964 = vector.shape_cast %get3A_963 : vector<1x1x16xf32> to vector<16xf32>
      %add3A_965 = arith.addf %add3A_958, %get3A_964 : vector<16xf32>
      %get3A_966 = arith.constant 11 : i32
      %get3A_967 = arith.index_cast %get3A_966 : i32 to index
      %get3A_968 = arith.index_cast %scan3A_890 : i32 to index
      %get3A_969 = arith.constant 0 : index
      %get3A_970 = tpu.vector_load %arg6[%get3A_967, %get3A_968, %get3A_969] {strides = array<i32>} : memref<26x128x32xf32, #tpu.memory_space<vmem>>, vector<1x1x16xf32>,
      %get3A_971 = vector.shape_cast %get3A_970 : vector<1x1x16xf32> to vector<16xf32>
      %add3A_972 = arith.addf %add3A_965, %get3A_971 : vector<16xf32>
      %get3A_973 = arith.constant 12 : i32
      %get3A_974 = arith.index_cast %get3A_973 : i32 to index
      %get3A_975 = arith.index_cast %scan3A_890 : i32 to index
      %get3A_976 = arith.constant 0 : index
      %get3A_977 = tpu.vector_load %arg6[%get3A_974, %get3A_975, %get3A_976] {strides = array<i32>} : memref<26x128x32xf32, #tpu.memory_space<vmem>>, vector<1x1x16xf32>,
      %get3A_978 = vector.shape_cast %get3A_977 : vector<1x1x16xf32> to vector<16xf32>
      %add3A_979 = arith.addf %add3A_972, %get3A_978 : vector<16xf32>
      %get3A_980 = arith.constant 13 : i32
      %get3A_981 = arith.index_cast %get3A_980 : i32 to index
      %get3A_982 = arith.index_cast %scan3A_890 : i32 to index
      %get3A_983 = arith.constant 0 : index
      %get3A_984 = tpu.vector_load %arg6[%get3A_981, %get3A_982, %get3A_983] {strides = array<i32>} : memref<26x128x32xf32, #tpu.memory_space<vmem>>, vector<1x1x16xf32>,
      %get3A_985 = vector.shape_cast %get3A_984 : vector<1x1x16xf32> to vector<16xf32>
      %add3A_986 = arith.addf %add3A_979, %get3A_985 : vector<16xf32>
      %get3A_987 = arith.constant 14 : i32
      %get3A_988 = arith.index_cast %get3A_987 : i32 to index
      %get3A_989 = arith.index_cast %scan3A_890 : i32 to index
      %get3A_990 = arith.constant 0 : index
      %get3A_991 = tpu.vector_load %arg6[%get3A_988, %get3A_989, %get3A_990] {strides = array<i32>} : memref<26x128x32xf32, #tpu.memory_space<vmem>>, vector<1x1x16xf32>,
      %get3A_992 = vector.shape_cast %get3A_991 : vector<1x1x16xf32> to vector<16xf32>
      %add3A_993 = arith.addf %add3A_986, %get3A_992 : vector<16xf32>
      %get3A_994 = arith.constant 15 : i32
      %get3A_995 = arith.index_cast %get3A_994 : i32 to index
      %get3A_996 = arith.index_cast %scan3A_890 : i32 to index
      %get3A_997 = arith.constant 0 : index
      %get3A_998 = tpu.vector_load %arg6[%get3A_995, %get3A_996, %get3A_997] {strides = array<i32>} : memref<26x128x32xf32, #tpu.memory_space<vmem>>, vector<1x1x16xf32>,
      %get3A_999 = vector.shape_cast %get3A_998 : vector<1x1x16xf32> to vector<16xf32>
      %add3A_1000 = arith.addf %add3A_993, %get3A_999 : vector<16xf32>
      %get3A_1001 = arith.constant 16 : i32
      %get3A_1002 = arith.index_cast %get3A_1001 : i32 to index
      %get3A_1003 = arith.index_cast %scan3A_890 : i32 to index
      %get3A_1004 = arith.constant 0 : index
      %get3A_1005 = tpu.vector_load %arg6[%get3A_1002, %get3A_1003, %get3A_1004] {strides = array<i32>} : memref<26x128x32xf32, #tpu.memory_space<vmem>>, vector<1x1x16xf32>,
      %get3A_1006 = vector.shape_cast %get3A_1005 : vector<1x1x16xf32> to vector<16xf32>
      %add3A_1007 = arith.addf %add3A_1000, %get3A_1006 : vector<16xf32>
      %get3A_1008 = arith.constant 17 : i32
      %get3A_1009 = arith.index_cast %get3A_1008 : i32 to index
      %get3A_1010 = arith.index_cast %scan3A_890 : i32 to index
      %get3A_1011 = arith.constant 0 : index
      %get3A_1012 = tpu.vector_load %arg6[%get3A_1009, %get3A_1010, %get3A_1011] {strides = array<i32>} : memref<26x128x32xf32, #tpu.memory_space<vmem>>, vector<1x1x16xf32>,
      %get3A_1013 = vector.shape_cast %get3A_1012 : vector<1x1x16xf32> to vector<16xf32>
      %add3A_1014 = arith.addf %add3A_1007, %get3A_1013 : vector<16xf32>
      %get3A_1015 = arith.constant 18 : i32
      %get3A_1016 = arith.index_cast %get3A_1015 : i32 to index
      %get3A_1017 = arith.index_cast %scan3A_890 : i32 to index
      %get3A_1018 = arith.constant 0 : index
      %get3A_1019 = tpu.vector_load %arg6[%get3A_1016, %get3A_1017, %get3A_1018] {strides = array<i32>} : memref<26x128x32xf32, #tpu.memory_space<vmem>>, vector<1x1x16xf32>,
      %get3A_1020 = vector.shape_cast %get3A_1019 : vector<1x1x16xf32> to vector<16xf32>
      %add3A_1021 = arith.addf %add3A_1014, %get3A_1020 : vector<16xf32>
      %get3A_1022 = arith.constant 19 : i32
      %get3A_1023 = arith.index_cast %get3A_1022 : i32 to index
      %get3A_1024 = arith.index_cast %scan3A_890 : i32 to index
      %get3A_1025 = arith.constant 0 : index
      %get3A_1026 = tpu.vector_load %arg6[%get3A_1023, %get3A_1024, %get3A_1025] {strides = array<i32>} : memref<26x128x32xf32, #tpu.memory_space<vmem>>, vector<1x1x16xf32>,
      %get3A_1027 = vector.shape_cast %get3A_1026 : vector<1x1x16xf32> to vector<16xf32>
      %add3A_1028 = arith.addf %add3A_1021, %get3A_1027 : vector<16xf32>
      %get3A_1029 = arith.constant 20 : i32
      %get3A_1030 = arith.index_cast %get3A_1029 : i32 to index
      %get3A_1031 = arith.index_cast %scan3A_890 : i32 to index
      %get3A_1032 = arith.constant 0 : index
      %get3A_1033 = tpu.vector_load %arg6[%get3A_1030, %get3A_1031, %get3A_1032] {strides = array<i32>} : memref<26x128x32xf32, #tpu.memory_space<vmem>>, vector<1x1x16xf32>,
      %get3A_1034 = vector.shape_cast %get3A_1033 : vector<1x1x16xf32> to vector<16xf32>
      %add3A_1035 = arith.addf %add3A_1028, %get3A_1034 : vector<16xf32>
      %get3A_1036 = arith.constant 21 : i32
      %get3A_1037 = arith.index_cast %get3A_1036 : i32 to index
      %get3A_1038 = arith.index_cast %scan3A_890 : i32 to index
      %get3A_1039 = arith.constant 0 : index
      %get3A_1040 = tpu.vector_load %arg6[%get3A_1037, %get3A_1038, %get3A_1039] {strides = array<i32>} : memref<26x128x32xf32, #tpu.memory_space<vmem>>, vector<1x1x16xf32>,
      %get3A_1041 = vector.shape_cast %get3A_1040 : vector<1x1x16xf32> to vector<16xf32>
      %add3A_1042 = arith.addf %add3A_1035, %get3A_1041 : vector<16xf32>
      %get3A_1043 = arith.constant 22 : i32
      %get3A_1044 = arith.index_cast %get3A_1043 : i32 to index
      %get3A_1045 = arith.index_cast %scan3A_890 : i32 to index
      %get3A_1046 = arith.constant 0 : index
      %get3A_1047 = tpu.vector_load %arg6[%get3A_1044, %get3A_1045, %get3A_1046] {strides = array<i32>} : memref<26x128x32xf32, #tpu.memory_space<vmem>>, vector<1x1x16xf32>,
      %get3A_1048 = vector.shape_cast %get3A_1047 : vector<1x1x16xf32> to vector<16xf32>
      %add3A_1049 = arith.addf %add3A_1042, %get3A_1048 : vector<16xf32>
      %get3A_1050 = arith.constant 23 : i32
      %get3A_1051 = arith.index_cast %get3A_1050 : i32 to index
      %get3A_1052 = arith.index_cast %scan3A_890 : i32 to index
      %get3A_1053 = arith.constant 0 : index
      %get3A_1054 = tpu.vector_load %arg6[%get3A_1051, %get3A_1052, %get3A_1053] {strides = array<i32>} : memref<26x128x32xf32, #tpu.memory_space<vmem>>, vector<1x1x16xf32>,
      %get3A_1055 = vector.shape_cast %get3A_1054 : vector<1x1x16xf32> to vector<16xf32>
      %add3A_1056 = arith.addf %add3A_1049, %get3A_1055 : vector<16xf32>
      %get3A_1057 = arith.constant 24 : i32
      %get3A_1058 = arith.index_cast %get3A_1057 : i32 to index
      %get3A_1059 = arith.index_cast %scan3A_890 : i32 to index
      %get3A_1060 = arith.constant 0 : index
      %get3A_1061 = tpu.vector_load %arg6[%get3A_1058, %get3A_1059, %get3A_1060] {strides = array<i32>} : memref<26x128x32xf32, #tpu.memory_space<vmem>>, vector<1x1x16xf32>,
      %get3A_1062 = vector.shape_cast %get3A_1061 : vector<1x1x16xf32> to vector<16xf32>
      %add3A_1063 = arith.addf %add3A_1056, %get3A_1062 : vector<16xf32>
      %get3A_1064 = arith.constant 25 : i32
      %get3A_1065 = arith.index_cast %get3A_1064 : i32 to index
      %get3A_1066 = arith.index_cast %scan3A_890 : i32 to index
      %get3A_1067 = arith.constant 0 : index
      %get3A_1068 = tpu.vector_load %arg6[%get3A_1065, %get3A_1066, %get3A_1067] {strides = array<i32>} : memref<26x128x32xf32, #tpu.memory_space<vmem>>, vector<1x1x16xf32>,
      %get3A_1069 = vector.shape_cast %get3A_1068 : vector<1x1x16xf32> to vector<16xf32>
      %add3A_1070 = arith.addf %add3A_1063, %get3A_1069 : vector<16xf32>
      %swap3A = arith.index_cast %scan3A_890 : i32 to index
      %swap3A_1071 = arith.constant 0 : index
      %swap3A_1072 = tpu.vector_load %arg7[%swap3A, %swap3A_1071] {strides = array<i32>} : memref<128x32xf32, #tpu.memory_space<vmem>>, vector<1x16xf32>,
      %swap3A_1073 = vector.shape_cast %swap3A_1072 : vector<1x16xf32> to vector<16xf32>
      %swap3A_1074 = vector.shape_cast %add3A_1070 : vector<16xf32> to vector<1x16xf32>
      tpu.vector_store %arg7[%swap3A, %swap3A_1071], %swap3A_1074 {strides = array<i32>} : memref<128x32xf32, #tpu.memory_space<vmem>>, vector<1x16xf32>,
      %get3A_1075 = arith.constant 0 : i32
      %get3A_1076 = arith.index_cast %get3A_1075 : i32 to index
      %get3A_1077 = arith.index_cast %scan3A_890 : i32 to index
      %get3A_1078 = arith.constant 16 : index
      %get3A_1079 = tpu.vector_load %arg6[%get3A_1076, %get3A_1077, %get3A_1078] {strides = array<i32>} : memref<26x128x32xf32, #tpu.memory_space<vmem>>, vector<1x1x16xf32>,
      %get3A_1080 = vector.shape_cast %get3A_1079 : vector<1x1x16xf32> to vector<16xf32>
      %get3A_1081 = arith.constant 1 : i32
      %get3A_1082 = arith.index_cast %get3A_1081 : i32 to index
      %get3A_1083 = arith.index_cast %scan3A_890 : i32 to index
      %get3A_1084 = arith.constant 16 : index
      %get3A_1085 = tpu.vector_load %arg6[%get3A_1082, %get3A_1083, %get3A_1084] {strides = array<i32>} : memref<26x128x32xf32, #tpu.memory_space<vmem>>, vector<1x1x16xf32>,
      %get3A_1086 = vector.shape_cast %get3A_1085 : vector<1x1x16xf32> to vector<16xf32>
      %add3A_1087 = arith.addf %get3A_1080, %get3A_1086 : vector<16xf32>
      %get3A_1088 = arith.constant 2 : i32
      %get3A_1089 = arith.index_cast %get3A_1088 : i32 to index
      %get3A_1090 = arith.index_cast %scan3A_890 : i32 to index
      %get3A_1091 = arith.constant 16 : index
      %get3A_1092 = tpu.vector_load %arg6[%get3A_1089, %get3A_1090, %get3A_1091] {strides = array<i32>} : memref<26x128x32xf32, #tpu.memory_space<vmem>>, vector<1x1x16xf32>,
      %get3A_1093 = vector.shape_cast %get3A_1092 : vector<1x1x16xf32> to vector<16xf32>
      %add3A_1094 = arith.addf %add3A_1087, %get3A_1093 : vector<16xf32>
      %get3A_1095 = arith.constant 3 : i32
      %get3A_1096 = arith.index_cast %get3A_1095 : i32 to index
      %get3A_1097 = arith.index_cast %scan3A_890 : i32 to index
      %get3A_1098 = arith.constant 16 : index
      %get3A_1099 = tpu.vector_load %arg6[%get3A_1096, %get3A_1097, %get3A_1098] {strides = array<i32>} : memref<26x128x32xf32, #tpu.memory_space<vmem>>, vector<1x1x16xf32>,
      %get3A_1100 = vector.shape_cast %get3A_1099 : vector<1x1x16xf32> to vector<16xf32>
      %add3A_1101 = arith.addf %add3A_1094, %get3A_1100 : vector<16xf32>
      %get3A_1102 = arith.constant 4 : i32
      %get3A_1103 = arith.index_cast %get3A_1102 : i32 to index
      %get3A_1104 = arith.index_cast %scan3A_890 : i32 to index
      %get3A_1105 = arith.constant 16 : index
      %get3A_1106 = tpu.vector_load %arg6[%get3A_1103, %get3A_1104, %get3A_1105] {strides = array<i32>} : memref<26x128x32xf32, #tpu.memory_space<vmem>>, vector<1x1x16xf32>,
      %get3A_1107 = vector.shape_cast %get3A_1106 : vector<1x1x16xf32> to vector<16xf32>
      %add3A_1108 = arith.addf %add3A_1101, %get3A_1107 : vector<16xf32>
      %get3A_1109 = arith.constant 5 : i32
      %get3A_1110 = arith.index_cast %get3A_1109 : i32 to index
      %get3A_1111 = arith.index_cast %scan3A_890 : i32 to index
      %get3A_1112 = arith.constant 16 : index
      %get3A_1113 = tpu.vector_load %arg6[%get3A_1110, %get3A_1111, %get3A_1112] {strides = array<i32>} : memref<26x128x32xf32, #tpu.memory_space<vmem>>, vector<1x1x16xf32>,
      %get3A_1114 = vector.shape_cast %get3A_1113 : vector<1x1x16xf32> to vector<16xf32>
      %add3A_1115 = arith.addf %add3A_1108, %get3A_1114 : vector<16xf32>
      %get3A_1116 = arith.constant 6 : i32
      %get3A_1117 = arith.index_cast %get3A_1116 : i32 to index
      %get3A_1118 = arith.index_cast %scan3A_890 : i32 to index
      %get3A_1119 = arith.constant 16 : index
      %get3A_1120 = tpu.vector_load %arg6[%get3A_1117, %get3A_1118, %get3A_1119] {strides = array<i32>} : memref<26x128x32xf32, #tpu.memory_space<vmem>>, vector<1x1x16xf32>,
      %get3A_1121 = vector.shape_cast %get3A_1120 : vector<1x1x16xf32> to vector<16xf32>
      %add3A_1122 = arith.addf %add3A_1115, %get3A_1121 : vector<16xf32>
      %get3A_1123 = arith.constant 7 : i32
      %get3A_1124 = arith.index_cast %get3A_1123 : i32 to index
      %get3A_1125 = arith.index_cast %scan3A_890 : i32 to index
      %get3A_1126 = arith.constant 16 : index
      %get3A_1127 = tpu.vector_load %arg6[%get3A_1124, %get3A_1125, %get3A_1126] {strides = array<i32>} : memref<26x128x32xf32, #tpu.memory_space<vmem>>, vector<1x1x16xf32>,
      %get3A_1128 = vector.shape_cast %get3A_1127 : vector<1x1x16xf32> to vector<16xf32>
      %add3A_1129 = arith.addf %add3A_1122, %get3A_1128 : vector<16xf32>
      %get3A_1130 = arith.constant 8 : i32
      %get3A_1131 = arith.index_cast %get3A_1130 : i32 to index
      %get3A_1132 = arith.index_cast %scan3A_890 : i32 to index
      %get3A_1133 = arith.constant 16 : index
      %get3A_1134 = tpu.vector_load %arg6[%get3A_1131, %get3A_1132, %get3A_1133] {strides = array<i32>} : memref<26x128x32xf32, #tpu.memory_space<vmem>>, vector<1x1x16xf32>,
      %get3A_1135 = vector.shape_cast %get3A_1134 : vector<1x1x16xf32> to vector<16xf32>
      %add3A_1136 = arith.addf %add3A_1129, %get3A_1135 : vector<16xf32>
      %get3A_1137 = arith.constant 9 : i32
      %get3A_1138 = arith.index_cast %get3A_1137 : i32 to index
      %get3A_1139 = arith.index_cast %scan3A_890 : i32 to index
      %get3A_1140 = arith.constant 16 : index
      %get3A_1141 = tpu.vector_load %arg6[%get3A_1138, %get3A_1139, %get3A_1140] {strides = array<i32>} : memref<26x128x32xf32, #tpu.memory_space<vmem>>, vector<1x1x16xf32>,
      %get3A_1142 = vector.shape_cast %get3A_1141 : vector<1x1x16xf32> to vector<16xf32>
      %add3A_1143 = arith.addf %add3A_1136, %get3A_1142 : vector<16xf32>
      %get3A_1144 = arith.constant 10 : i32
      %get3A_1145 = arith.index_cast %get3A_1144 : i32 to index
      %get3A_1146 = arith.index_cast %scan3A_890 : i32 to index
      %get3A_1147 = arith.constant 16 : index
      %get3A_1148 = tpu.vector_load %arg6[%get3A_1145, %get3A_1146, %get3A_1147] {strides = array<i32>} : memref<26x128x32xf32, #tpu.memory_space<vmem>>, vector<1x1x16xf32>,
      %get3A_1149 = vector.shape_cast %get3A_1148 : vector<1x1x16xf32> to vector<16xf32>
      %add3A_1150 = arith.addf %add3A_1143, %get3A_1149 : vector<16xf32>
      %get3A_1151 = arith.constant 11 : i32
      %get3A_1152 = arith.index_cast %get3A_1151 : i32 to index
      %get3A_1153 = arith.index_cast %scan3A_890 : i32 to index
      %get3A_1154 = arith.constant 16 : index
      %get3A_1155 = tpu.vector_load %arg6[%get3A_1152, %get3A_1153, %get3A_1154] {strides = array<i32>} : memref<26x128x32xf32, #tpu.memory_space<vmem>>, vector<1x1x16xf32>,
      %get3A_1156 = vector.shape_cast %get3A_1155 : vector<1x1x16xf32> to vector<16xf32>
      %add3A_1157 = arith.addf %add3A_1150, %get3A_1156 : vector<16xf32>
      %get3A_1158 = arith.constant 12 : i32
      %get3A_1159 = arith.index_cast %get3A_1158 : i32 to index
      %get3A_1160 = arith.index_cast %scan3A_890 : i32 to index
      %get3A_1161 = arith.constant 16 : index
      %get3A_1162 = tpu.vector_load %arg6[%get3A_1159, %get3A_1160, %get3A_1161] {strides = array<i32>} : memref<26x128x32xf32, #tpu.memory_space<vmem>>, vector<1x1x16xf32>,
      %get3A_1163 = vector.shape_cast %get3A_1162 : vector<1x1x16xf32> to vector<16xf32>
      %add3A_1164 = arith.addf %add3A_1157, %get3A_1163 : vector<16xf32>
      %get3A_1165 = arith.constant 13 : i32
      %get3A_1166 = arith.index_cast %get3A_1165 : i32 to index
      %get3A_1167 = arith.index_cast %scan3A_890 : i32 to index
      %get3A_1168 = arith.constant 16 : index
      %get3A_1169 = tpu.vector_load %arg6[%get3A_1166, %get3A_1167, %get3A_1168] {strides = array<i32>} : memref<26x128x32xf32, #tpu.memory_space<vmem>>, vector<1x1x16xf32>,
      %get3A_1170 = vector.shape_cast %get3A_1169 : vector<1x1x16xf32> to vector<16xf32>
      %add3A_1171 = arith.addf %add3A_1164, %get3A_1170 : vector<16xf32>
      %get3A_1172 = arith.constant 14 : i32
      %get3A_1173 = arith.index_cast %get3A_1172 : i32 to index
      %get3A_1174 = arith.index_cast %scan3A_890 : i32 to index
      %get3A_1175 = arith.constant 16 : index
      %get3A_1176 = tpu.vector_load %arg6[%get3A_1173, %get3A_1174, %get3A_1175] {strides = array<i32>} : memref<26x128x32xf32, #tpu.memory_space<vmem>>, vector<1x1x16xf32>,
      %get3A_1177 = vector.shape_cast %get3A_1176 : vector<1x1x16xf32> to vector<16xf32>
      %add3A_1178 = arith.addf %add3A_1171, %get3A_1177 : vector<16xf32>
      %get3A_1179 = arith.constant 15 : i32
      %get3A_1180 = arith.index_cast %get3A_1179 : i32 to index
      %get3A_1181 = arith.index_cast %scan3A_890 : i32 to index
      %get3A_1182 = arith.constant 16 : index
      %get3A_1183 = tpu.vector_load %arg6[%get3A_1180, %get3A_1181, %get3A_1182] {strides = array<i32>} : memref<26x128x32xf32, #tpu.memory_space<vmem>>, vector<1x1x16xf32>,
      %get3A_1184 = vector.shape_cast %get3A_1183 : vector<1x1x16xf32> to vector<16xf32>
      %add3A_1185 = arith.addf %add3A_1178, %get3A_1184 : vector<16xf32>
      %get3A_1186 = arith.constant 16 : i32
      %get3A_1187 = arith.index_cast %get3A_1186 : i32 to index
      %get3A_1188 = arith.index_cast %scan3A_890 : i32 to index
      %get3A_1189 = arith.constant 16 : index
      %get3A_1190 = tpu.vector_load %arg6[%get3A_1187, %get3A_1188, %get3A_1189] {strides = array<i32>} : memref<26x128x32xf32, #tpu.memory_space<vmem>>, vector<1x1x16xf32>,
      %get3A_1191 = vector.shape_cast %get3A_1190 : vector<1x1x16xf32> to vector<16xf32>
      %add3A_1192 = arith.addf %add3A_1185, %get3A_1191 : vector<16xf32>
      %get3A_1193 = arith.constant 17 : i32
      %get3A_1194 = arith.index_cast %get3A_1193 : i32 to index
      %get3A_1195 = arith.index_cast %scan3A_890 : i32 to index
      %get3A_1196 = arith.constant 16 : index
      %get3A_1197 = tpu.vector_load %arg6[%get3A_1194, %get3A_1195, %get3A_1196] {strides = array<i32>} : memref<26x128x32xf32, #tpu.memory_space<vmem>>, vector<1x1x16xf32>,
      %get3A_1198 = vector.shape_cast %get3A_1197 : vector<1x1x16xf32> to vector<16xf32>
      %add3A_1199 = arith.addf %add3A_1192, %get3A_1198 : vector<16xf32>
      %get3A_1200 = arith.constant 18 : i32
      %get3A_1201 = arith.index_cast %get3A_1200 : i32 to index
      %get3A_1202 = arith.index_cast %scan3A_890 : i32 to index
      %get3A_1203 = arith.constant 16 : index
      %get3A_1204 = tpu.vector_load %arg6[%get3A_1201, %get3A_1202, %get3A_1203] {strides = array<i32>} : memref<26x128x32xf32, #tpu.memory_space<vmem>>, vector<1x1x16xf32>,
      %get3A_1205 = vector.shape_cast %get3A_1204 : vector<1x1x16xf32> to vector<16xf32>
      %add3A_1206 = arith.addf %add3A_1199, %get3A_1205 : vector<16xf32>
      %get3A_1207 = arith.constant 19 : i32
      %get3A_1208 = arith.index_cast %get3A_1207 : i32 to index
      %get3A_1209 = arith.index_cast %scan3A_890 : i32 to index
      %get3A_1210 = arith.constant 16 : index
      %get3A_1211 = tpu.vector_load %arg6[%get3A_1208, %get3A_1209, %get3A_1210] {strides = array<i32>} : memref<26x128x32xf32, #tpu.memory_space<vmem>>, vector<1x1x16xf32>,
      %get3A_1212 = vector.shape_cast %get3A_1211 : vector<1x1x16xf32> to vector<16xf32>
      %add3A_1213 = arith.addf %add3A_1206, %get3A_1212 : vector<16xf32>
      %get3A_1214 = arith.constant 20 : i32
      %get3A_1215 = arith.index_cast %get3A_1214 : i32 to index
      %get3A_1216 = arith.index_cast %scan3A_890 : i32 to index
      %get3A_1217 = arith.constant 16 : index
      %get3A_1218 = tpu.vector_load %arg6[%get3A_1215, %get3A_1216, %get3A_1217] {strides = array<i32>} : memref<26x128x32xf32, #tpu.memory_space<vmem>>, vector<1x1x16xf32>,
      %get3A_1219 = vector.shape_cast %get3A_1218 : vector<1x1x16xf32> to vector<16xf32>
      %add3A_1220 = arith.addf %add3A_1213, %get3A_1219 : vector<16xf32>
      %get3A_1221 = arith.constant 21 : i32
      %get3A_1222 = arith.index_cast %get3A_1221 : i32 to index
      %get3A_1223 = arith.index_cast %scan3A_890 : i32 to index
      %get3A_1224 = arith.constant 16 : index
      %get3A_1225 = tpu.vector_load %arg6[%get3A_1222, %get3A_1223, %get3A_1224] {strides = array<i32>} : memref<26x128x32xf32, #tpu.memory_space<vmem>>, vector<1x1x16xf32>,
      %get3A_1226 = vector.shape_cast %get3A_1225 : vector<1x1x16xf32> to vector<16xf32>
      %add3A_1227 = arith.addf %add3A_1220, %get3A_1226 : vector<16xf32>
      %get3A_1228 = arith.constant 22 : i32
      %get3A_1229 = arith.index_cast %get3A_1228 : i32 to index
      %get3A_1230 = arith.index_cast %scan3A_890 : i32 to index
      %get3A_1231 = arith.constant 16 : index
      %get3A_1232 = tpu.vector_load %arg6[%get3A_1229, %get3A_1230, %get3A_1231] {strides = array<i32>} : memref<26x128x32xf32, #tpu.memory_space<vmem>>, vector<1x1x16xf32>,
      %get3A_1233 = vector.shape_cast %get3A_1232 : vector<1x1x16xf32> to vector<16xf32>
      %add3A_1234 = arith.addf %add3A_1227, %get3A_1233 : vector<16xf32>
      %get3A_1235 = arith.constant 23 : i32
      %get3A_1236 = arith.index_cast %get3A_1235 : i32 to index
      %get3A_1237 = arith.index_cast %scan3A_890 : i32 to index
      %get3A_1238 = arith.constant 16 : index
      %get3A_1239 = tpu.vector_load %arg6[%get3A_1236, %get3A_1237, %get3A_1238] {strides = array<i32>} : memref<26x128x32xf32, #tpu.memory_space<vmem>>, vector<1x1x16xf32>,
      %get3A_1240 = vector.shape_cast %get3A_1239 : vector<1x1x16xf32> to vector<16xf32>
      %add3A_1241 = arith.addf %add3A_1234, %get3A_1240 : vector<16xf32>
      %get3A_1242 = arith.constant 24 : i32
      %get3A_1243 = arith.index_cast %get3A_1242 : i32 to index
      %get3A_1244 = arith.index_cast %scan3A_890 : i32 to index
      %get3A_1245 = arith.constant 16 : index
      %get3A_1246 = tpu.vector_load %arg6[%get3A_1243, %get3A_1244, %get3A_1245] {strides = array<i32>} : memref<26x128x32xf32, #tpu.memory_space<vmem>>, vector<1x1x16xf32>,
      %get3A_1247 = vector.shape_cast %get3A_1246 : vector<1x1x16xf32> to vector<16xf32>
      %add3A_1248 = arith.addf %add3A_1241, %get3A_1247 : vector<16xf32>
      %get3A_1249 = arith.constant 25 : i32
      %get3A_1250 = arith.index_cast %get3A_1249 : i32 to index
      %get3A_1251 = arith.index_cast %scan3A_890 : i32 to index
      %get3A_1252 = arith.constant 16 : index
      %get3A_1253 = tpu.vector_load %arg6[%get3A_1250, %get3A_1251, %get3A_1252] {strides = array<i32>} : memref<26x128x32xf32, #tpu.memory_space<vmem>>, vector<1x1x16xf32>,
      %get3A_1254 = vector.shape_cast %get3A_1253 : vector<1x1x16xf32> to vector<16xf32>
      %add3A_1255 = arith.addf %add3A_1248, %get3A_1254 : vector<16xf32>
      %swap3A_1256 = arith.index_cast %scan3A_890 : i32 to index
      %swap3A_1257 = arith.constant 16 : index
      %swap3A_1258 = tpu.vector_load %arg7[%swap3A_1256, %swap3A_1257] {strides = array<i32>} : memref<128x32xf32, #tpu.memory_space<vmem>>, vector<1x16xf32>,
      %swap3A_1259 = vector.shape_cast %swap3A_1258 : vector<1x16xf32> to vector<16xf32>
      %swap3A_1260 = vector.shape_cast %add3A_1255 : vector<16xf32> to vector<1x16xf32>
      tpu.vector_store %arg7[%swap3A_1256, %swap3A_1257], %swap3A_1260 {strides = array<i32>} : memref<128x32xf32, #tpu.memory_space<vmem>>, vector<1x16xf32>,
    }
    %scan3A_889 = arith.constant 128 : i32
    "tpu.region"() ({
      %run_scoped3A = tpu.sem_alloc : memref<!tpu.dma_semaphore, #tpu.memory_space<semaphore_mem>>
      %dma_start3A_890 = arith.constant 0 : i32
      %dma_start3A_891 = tpu.memref_slice %arg4[%mul3A_2, %dma_start3A_890] : memref<4096x32xf32, #tpu.memory_space<hbm>> -> memref<128x32xf32, #tpu.memory_space<hbm>>
      %dma_start3A_892 = arith.constant 0 : i32
      %dma_start3A_893 = tpu.memref_slice %arg4[%mul3A_2, %dma_start3A_892] : memref<4096x32xf32, #tpu.memory_space<hbm>> -> memref<128x32xf32, #tpu.memory_space<hbm>>
      tpu.enqueue_dma source(%arg7 : memref<128x32xf32, #tpu.memory_space<vmem>>) target(%dma_start3A_893 : memref<128x32xf32, #tpu.memory_space<hbm>>) target_semaphore(%run_scoped3A : memref<!tpu.dma_semaphore, #tpu.memory_space<semaphore_mem>>)
      %dma_wait3A_894 = arith.constant 0 : i32
      %dma_wait3A_895 = tpu.memref_slice %arg4[%mul3A_2, %dma_wait3A_894] : memref<4096x32xf32, #tpu.memory_space<hbm>> -> memref<128x32xf32, #tpu.memory_space<hbm>>
      %dma_wait3A_896 = arith.constant 0 : i32
      %dma_wait3A_897 = tpu.memref_slice %arg4[%mul3A_2, %dma_wait3A_896] : memref<4096x32xf32, #tpu.memory_space<hbm>> -> memref<128x32xf32, #tpu.memory_space<hbm>>
      tpu.wait_dma2 semaphore(%run_scoped3A : memref<!tpu.dma_semaphore, #tpu.memory_space<semaphore_mem>>) src(%arg7 : memref<128x32xf32, #tpu.memory_space<vmem>>) dst(%dma_wait3A_897 : memref<128x32xf32, #tpu.memory_space<hbm>>)
      tpu.yield
    }) : () -> ()
    return
  }
}

</mosaic_0001>

<sc_bundles>
// kernel: kernel.3.cloned.1.call-start
scs
__scs_entry_jumppad:
0x0: {  	(pc) =	sbr.rel $0x88, $3  }
0x1: {  	(tag) =	ssettag $0x0;
	lr =	simm.s32 $0x1  }
0x2: {  	[smem:$0x3F9F] =	sst lr;
	_ =	strace $0xD0000000  }
0x3: {  	_ = 	snop  }
0x4: {  	_ = 	snop  }
0x5: {  	_ = 	snop  }
0x6: {  	_ = 	snop  }
0x7: {  	_ = 	snop  }
__scs_overlays_trampoline_lowered:
0x8: {  	[smem:$0x3FAE] =	sst s0  }
0x9: {  	[smem:$0x3FAF] =	sst s1  }
0xa: {  	[smem:$0x3FB0] =	sst s2  }
0xb: {  	[smem:$0x3FB1] =	sst s3  }
0xc: {  	[smem:$0x3FB2] =	sst s4  }
0xd: {  	[smem:$0x3FB3] =	sst s5  }
0xe: {  	[smem:$0x3FB4] =	sst s6  }
0xf: {  	[smem:$0x3FB5] =	sst s7  }
0x10: {  	[smem:$0x3FB6] =	sst s8  }
0x11: {  	[smem:$0x3FB7] =	sst s9;
	s0 =	simm.s32 @!p0 $0x0  }
0x12: {  	s1 =	sld [smem:$0x3F9D];
	s0 =	simm.s32 @p0 $0x1  }
0x13: {  	[smem:$0x3FB8] =	sst s0;
	s0 =	simm.s32 @!p1 $0x0  }
0x14: {  	s2 =	sld [smem:$0x3F9C];
	s0 =	simm.s32 @p1 $0x1  }
0x15: {  	[smem:$0x3FB9] =	sst s0;
	s0 =	simm.s32 @!p2 $0x0  }
0x16: {  	s3 =	sld [smem:$0x3FDB];
	s0 =	simm.s32 @p2 $0x1  }
0x17: {  	s4 =	simm.s32 $0x1BF5;
	[smem:$0x3FBB] =	sst s0  }
0x18: {  	s0 =	sld [smem:$0x3F9E];
	_ =	swait.ge [sflag:s4], $0x0  }
0x19: {  	s7 =	sld [smem:$0x3F9F]  }
0x1a: {  	s8 =	sadd.s32 $0xFFFFE003, lr  }
0x1b: {  	s9 =	sadd.s32 $0xFFFFFEF7, lr;
	s5 =	simm.s32 $0xFFFFFFFF;
	p2 =	slt.u32 s8, $0xFFFFF086  }
0x1c: {  	p1 =	slt.u32 s9, $0xF7A;
	s5 =	simm.s32 @!p2 $0x0  }
0x1d: {  	s5 =	simm.s32 @p1 $0x1;
	p0 =	seq.s32 s7, s2  }
0x1e: {  	s7 =	smul.u32 @!p0 $0xF7A, s2;
	p2 =	seq.s32 @!p0 s5, $0x0  }
0x1f: {  	s9 =	smul.u32 $0xF7A, s1;
	s8 =	simm.s32 @!p0 $0x1BF5;
	p2 =	por !p2, p0  }
0x20: {  	[sflag:s8] =	ssyncset.s32 @!p0 $0xFFFFF086;
	s6 =	sadd.s32 @!p0 s3, s7;
	s7 =	simm.s32 @!p0 $0x108  }
0x21: {  	s3 =	sadd.s32 s3, s9;
	s6 =	sadd.s32 @!p0 $0x88, s6;
	s7 =	simm.s32 @p2 $0x1082  }
0x22: {  	[simem:s7], [sflag:s8] =	dma.local @!p0 [hbm:s6], $0xF7A  }
0x23: {  	s9 =	sor.u32 $0xD0000000, s2;
	s6 =	simm.s32 $0x108;
	_ =	swait.ge @!p0 [sflag:s8], $0x0  }
0x24: {  	s3 =	sadd.s32 $0x88, s3;
	s6 =	simm.s32 @!p1 $0x1082;
	[sflag:s4] =	ssyncset.s32 $0xFFFFF086  }
0x25: {  	[simem:s6], [sflag:s4] =	dma.local [hbm:s3], $0xF7A  }
0x26: {  	[smem:$0x3F9F] =	sst s1;
	(tag) =	ssettag s2;
	_ =	strace s9  }
0x27: {  	s1 =	sld [smem:$0x3FAF]  }
0x28: {  	s2 =	sld [smem:$0x3FB0]  }
0x29: {  	s4 =	sld [smem:$0x3FB2]  }
0x2a: {  	p0 =	seq.s32 s5, $0x0;
	s5 =	sld [smem:$0x3FB3]  }
0x2b: {  	s6 =	sld [smem:$0x3FB4]  }
0x2c: {  	s7 =	sld [smem:$0x3FB5]  }
0x2d: {  	s3 =	simm.s32 $0x108;
	s8 =	sld [smem:$0x3FB6]  }
0x2e: {  	s3 =	simm.s32 @!p0 $0x1082;
	s9 =	sld [smem:$0x3FB7]  }
0x2f: {  	lr =	sadd.s32 s0, s3;
	s0 =	sld [smem:$0x3FAE]  }
0x30: {  	s3 =	sld [smem:$0x3FB1]  }
0x31: {  	[smem:$0x3FBA] =	sst s10  }
0x32: {  	s10 =	sld [smem:$0x3FB8];
	_ =	sdelay $0x3  }
0x33: {  	p0 =	seq.s32 s10, $0x1;
	s10 =	sld [smem:$0x3FBA];
	_ =	sdelay $0x3  }
0x34: {  	[smem:$0x3FBA] =	sst s10  }
0x35: {  	s10 =	sld [smem:$0x3FB9];
	_ =	sdelay $0x3  }
0x36: {  	p1 =	seq.s32 s10, $0x1;
	s10 =	sld [smem:$0x3FBA];
	_ =	sdelay $0x3  }
0x37: {  	[smem:$0x3FBA] =	sst s10  }
0x38: {  	s10 =	sld [smem:$0x3FBB]  }
0x39: {  	_ = 	snop;
	(pc) =	sbr.ind lr, $3  }
0x3a: {  	_ = 	snop  }
0x3b: {  	_ = 	snop  }
0x3c: {  	p2 =	seq.s32 s10, $0x1;
	s10 =	sld [smem:$0x3FBA]  }
0x3d: {  	_ =	shalt  }
0x3e: {  	_ =	shalt  }
0x3f: {  	_ =	shalt  }
0x40: {  	_ =	shalt  }
0x41: {  	_ =	shalt  }
0x42: {  	_ =	shalt  }
0x43: {  	_ =	shalt  }
0x44: {  	_ =	shalt  }
0x45: {  	_ =	shalt  }
0x46: {  	_ =	shalt  }
0x47: {  	_ =	shalt  }
0x48: {  	_ =	shalt  }
0x49: {  	_ =	shalt  }
0x4a: {  	_ =	shalt  }
0x4b: {  	_ =	shalt  }
0x4c: {  	_ =	shalt  }
0x4d: {  	_ =	shalt  }
0x4e: {  	_ =	shalt  }
0x4f: {  	_ =	shalt  }
0x50: {  	_ =	shalt  }
0x51: {  	_ =	shalt  }
0x52: {  	_ =	shalt  }
0x53: {  	_ =	shalt  }
0x54: {  	_ =	shalt  }
0x55: {  	_ =	shalt  }
0x56: {  	_ =	shalt  }
0x57: {  	_ =	shalt  }
0x58: {  	_ =	shalt  }
0x59: {  	_ =	shalt  }
0x5a: {  	_ =	shalt  }
0x5b: {  	_ =	shalt  }
0x5c: {  	_ =	shalt  }
0x5d: {  	_ =	shalt  }
0x5e: {  	_ =	shalt  }
0x5f: {  	_ =	shalt  }
0x60: {  	_ =	shalt  }
0x61: {  	_ =	shalt  }
0x62: {  	_ =	shalt  }
0x63: {  	_ =	shalt  }
0x64: {  	_ =	shalt  }
0x65: {  	_ =	shalt  }
0x66: {  	_ =	shalt  }
0x67: {  	_ =	shalt  }
0x68: {  	_ =	shalt  }
0x69: {  	_ =	shalt  }
0x6a: {  	_ =	shalt  }
0x6b: {  	_ =	shalt  }
0x6c: {  	_ =	shalt  }
0x6d: {  	_ =	shalt  }
0x6e: {  	_ =	shalt  }
0x6f: {  	_ =	shalt  }
0x70: {  	_ =	shalt  }
0x71: {  	_ =	shalt  }
0x72: {  	_ =	shalt  }
0x73: {  	_ =	shalt  }
0x74: {  	_ =	shalt  }
0x75: {  	_ =	shalt  }
0x76: {  	_ =	shalt  }
0x77: {  	_ =	shalt  }
0x78: {  	_ =	shalt  }
0x79: {  	_ =	shalt  }
0x7a: {  	_ =	shalt  }
0x7b: {  	_ =	shalt  }
0x7c: {  	_ =	shalt  }
0x7d: {  	_ =	shalt  }
0x7e: {  	_ =	shalt  }
0x7f: {  	_ =	shalt  }
0x80: {  	_ =	shalt  }
0x81: {  	_ =	shalt  }
0x82: {  	_ =	shalt  }
0x83: {  	_ =	shalt  }
0x84: {  	_ =	shalt  }
0x85: {  	_ =	shalt  }
0x86: {  	_ =	shalt  }
0x87: {  	_ =	shalt  }
.Lfunc_end0:
.L_simem_size_0:
called_computation_lowered:
.L_overlay_start_0:
0x88: {  	s2 =	sld [smem:$0x3FD9]  }
0x89: {  	s3 =	sld [smem:$0x3FFE];
	_ =	sdelay $0x1  }
0x8a: {  	s1 =	srdreg.scid  }
0x8b: {  	s0 =	sand.u32 $0x1, s1  }
0x8c: {  	s17 =	sshll.u32 s0, $0xA;
	s2 =	sadd.s32 s3, s2  }
0x8d: {  	s2 =	sadd.s32 s2, s17  }
0x8e: {  	[smem:$0x3FC6] =	sst s2  }
0x8f: {  	_ = 	snop  }
0x90: {  	s2 =	sld [smem:$0x3FD0];
	(tm) =	ssettm $0x1  }
0x91: {  	s18 =	sld [smem:$0x3FFB];
	_ =	sdelay $0x3  }
0x92: {  	_ =	strace s18  }
0x93: {  	s3 =	sld [smem:$0x3FFC];
	_ =	sdelay $0x3  }
0x94: {  	_ =	strace s3  }
0x95: {  	s3 =	sld [smem:$0x3FFD];
	_ =	sdelay $0x3  }
0x96: {  	_ =	strace s3  }
0x97: {  	_ =	strace $0x8FFFFFFF  }
0x98: {  	s19 =	sld [smem:$0x3FDB];
	_ =	sdelay $0x1  }
0x99: {  	s4 =	simm.s32 $_scs_section_size  }
0x9a: {  	s5 =	simm.s32 $_size__tile_overlayer_lowered;
	s6 =	simm.s32 $_tile_overlayer_lowered  }
0x9b: {  	s22 =	simm.s32 $0x1BFF;
	s21 =	sshll.u32 s6, $0x1;
	s3 =	sadd.s32 s4, s19  }
0x9c: {  	s7 =	simm.s32 $0x0;
	s20 =	sshll.u32 s5, $0x1;
	s5 =	sadd.s32 s21, s3  }
0x9d: {  	[timem:s7], [sflag:s22] =	dma.local [hbm:s5], s20  }
0x9e: {  	_ =	swait.ge [sflag:s22], s20  }
0x9f: {  	s4 =	ssub.s32 $0x0, s20;
	[sflag:s22] =	ssyncset.done $0x0  }
0xa0: {  	[sflag:s22] =	ssyncadd.s32 s4;
	_ =	sdelay $0x1  }
0xa1: {  	s23 =	simm.s32 $0x1B8B  }
0xa2: {  	_ =	swait.ge [sflag:s23], $0x1  }
0xa3: {  	[sflag:s23] =	ssyncset.done $0x0  }
0xa4: {  	s25 =	simm.s32 $0x1B8E;
	s24 =	sld [smem:$0x3FFE];
	[sflag:s23] =	ssyncadd.s32 $0xFFFFFFFF  }
0xa5: {  	s26 =	simm.s32 $execute0_lowered;
	[smem:$0x3FD2] =	sst s25  }
0xa6: {  	s5 =	sshll.u32 s26, $0x1;
	_ =	strace $0x80000046;
	[dreg:$0x1] =	wrdreg $0xFFFFFFFF  }
0xa7: {  	s28 =	simm.s32 $_size_execute0_lowered;
	s3 =	sadd.s32 s3, s5;
	[dreg:$0x0] =	wrdreg $0x0  }
0xa8: {  	s5 =	sshll.u32 s28, $0x1;
	[dreg:$0x2] =	wrdreg s3  }
0xa9: {  	[dreg:$0x3] =	wrdreg s5  }
0xaa: {  	[dreg:$0x4] =	wrdreg $0xC0  }
0xab: {  	_ =	task [dreg:s7], $0x5FFFF  }
0xac: {  	[dreg:$0x1] =	wrdreg $0xFFFFFFFF  }
0xad: {  	[dreg:$0x0] =	wrdreg $0x60  }
0xae: {  	[dreg:$0x2] =	wrdreg s24  }
0xaf: {  	[dreg:$0x3] =	wrdreg s2  }
0xb0: {  	[dreg:$0x4] =	wrdreg $0x9  }
0xb1: {  	_ =	task.clear_ibuf [dreg:s7], $0x5FFFF;
	_ =	strace $0x90000046  }
0xb2: {  	s29 =	simm.s32 $0x9;
	_ =	strace $0x80000048  }
0xb3: {  	_ =	swait.ge [sflag:s29], $0x1  }
0xb4: {  	[sflag:s29] =	ssyncadd.s32 $0xFFFFFFFF  }
0xb5: {  	_ =	strace $0x90000048  }
0xb6: {  	_ =	sfence  }
0xb7: {  	s30 =	sld [smem:$0x0];
	_ =	sdelay $0x2  }
0xb8: {  	s31 =	sshll.u32 s1, $0xD;
	s1 =	sshrl.u32 s1, $0x2  }
0xb9: {  	s3 =	sand.u32 $0x4000, s31;
	s1 =	sadd.s32 s1, s30  }
0xba: {  	s0 =	sor.u32 s3, s0;
	s1 =	sshll.u32 s1, $0x11  }
0xbb: {  	s0 =	sor.u32 s1, s0  }
0xbc: {  	s0 =	sadd.s32 $0x8F2B, s0  }
0xbd: {  	[sflag:s0] =	ssyncadd.remote.s32 $0x1  }
0xbe: {  	_ =	sfence.sel $0xFFFF  }
0xbf: {  	[dreg:$0x0] =	wrdreg $0xFFFFFFFF;
	(pc) =	sbr.abs _section_cstart, $3  }
0xc0: {  	[dreg:$0x1] =	wrdreg $0xFFFFFFFF  }
0xc1: {  	_ =	task.clear_ibuf [dreg:s7], $0x2FFFF;
	_ =	strace $0x9FFFFFFF  }
0xc2: {  	(tm) =	ssettm $0x7FFFFFFF  }
0xc3: {  	_ =	shalt  }
tec
execute0_lowered:
.L_overlay_start_1:
0x0: {  	(tag) =	ssettag $0x1  }
0x1: {  	s1 =	rddreg [dreg:$0x0]  }
0x2: {  	s6 =	sadd.s32 $0x27ACA00, s1;
	s22 =	sadd.s32 $0x280E480, s1  }
0x3: {  	s23 =	sadd.s32 $0x286FF00, s1;
	s24 =	sadd.s32 $0x28D1980, s1  }
0x4: {  	s0 =	srdreg.scid;
	s25 =	sadd.s32 $0x2933400, s1;
	s9 =	sadd.s32 $0x2994E80, s1  }
0x5: {  	s2 =	stileid.u32;
	s10 =	sadd.s32 $0x29F6900, s1;
	s11 =	sadd.s32 $0x2A58380, s1  }
0x6: {  	s3 =	rddreg [dreg:$0x1];
	s12 =	sadd.s32 $0x2AB9E00, s1;
	s13 =	sadd.s32 $0x2B1B880, s1  }
0x7: {  	s4 =	sshll.u32 s2, $0x8;
	s14 =	sadd.s32 $0x2B7D300, s1;
	s15 =	sadd.s32 $0x2BDED80, s1  }
0x8: {  	s2 =	simm.s32 $0x0;
	s16 =	sadd.s32 $0x2C40800, s1;
	s17 =	sadd.s32 $0x2CA2280, s1  }
0x9: {  	s0 =	sand.u32 $0x1, s0;
	s18 =	sadd.s32 $0x2D03D00, s1;
	[smem:$0x7FF] =	sst s2  }
0xa: {  	s19 =	sadd.s32 $0x2D65780, s1;
	_ =	strace $0x80000047;
	[dreg:$0x3] =	wrdreg s6  }
0xb: {  	s20 =	sadd.s32 $0x2DC7200, s1;
	s21 =	sadd.s32 $0x2E28C80, s1;
	[dreg:$0x5] =	wrdreg s22  }
0xc: {  	s28 =	sadd.s32 $0x3072B80, s1;
	s30 =	sadd.s32 $0x30D4600, s1;
	[dreg:$0x6] =	wrdreg s23  }
0xd: {  	s31 =	sadd.s32 $0x3136080, s1;
	s5 =	sshll.u32 s0, $0x7;
	[dreg:$0x7] =	wrdreg s24  }
0xe: {  	s0 =	ssub.s32 $0x2, s0;
	s4 =	sor.u32 s5, s4;
	[dreg:$0x8] =	wrdreg s25  }
0xf: {  	s26 =	sshrl.u32 s0, $0x1;
	s22 =	sadd.s32 $0x2E8A700, s1;
	s23 =	sadd.s32 $0x2EEC180, s1  }
0x10: {  	s24 =	sadd.s32 $0x2F4DC00, s1;
	s25 =	sadd.s32 $0x2FAF680, s1;
	s5 =	sshrl.u32 s4, $0x3  }
0x11: {  	s0 =	ssub.s32 s0, s26;
	s4 =	sshll.u32 s4, $0x2;
	s26 =	sadd.s32 $0x3011100, s1  }
0x12: {  	s5 =	sadd.s32 s5, s1;
	s29 =	sadd.s32 s3, s4;
	s1 =	smax.u32 s0, $0x1  }
0x13: {  	s0 =	simm.s32 $0x80;
	s3 =	simm.s32 $0x2;
	s5 =	sadd.s32 $0x600, s5  }
0x14: {  	s4 =	simm.s32 $0x1;
	[dreg:$0x4] =	wrdreg s5;
	s5 =	simm.s32 $0x0  }
.LBB2_1:
0x15: {  	s6 =	rddreg [dreg:$0x4];
	s7 =	simm.s32 $0x1000  }
0x16: {  	[tilespmem:s2], [sflag:$0x2] =	stream.strided.gather [hbm4b:s6+s0], $0xD00, s7, s0, $0x38;
	[tilespmem:$0x1BD00] =	vst v63  }
0x17: {  	_ =	swait.ge [sflag:s3], $0xD00  }
0x18: {  	[sflag:s3] =	ssyncset.done $0x0  }
0x19: {  	s8 =	simm.s32 $0xD00;
	s7 =	rddreg [dreg:$0x3];
	[sflag:s3] =	ssyncadd.s32 $0xFFFFF300  }
0x1a: {  	[tilespmem:s8], [sflag:$0x1] =	stream.indirect.gather [hbm4b:s7+s0], $0x20, s2, s0, $0xb8;
	[tilespmem:$0x1BD00] =	vst v63  }
0x1b: {  	s7 =	rddreg [dreg:$0x5];
	s8 =	simm.s32 $0x1D00  }
0x1c: {  	[tilespmem:s8], [sflag:$0x1] =	stream.indirect.gather [hbm4b:s7+s0], $0x20, s0, s0, $0xb8;
	[tilespmem:$0x1BD00] =	vst v63  }
0x1d: {  	s6 =	rddreg [dreg:$0x6];
	s7 =	simm.s32 $0x100;
	s8 =	simm.s32 $0x2D00  }
0x1e: {  	[tilespmem:s8], [sflag:$0x1] =	stream.indirect.gather [hbm4b:s6+s0], $0x20, s7, s0, $0xb8;
	[tilespmem:$0x1BD00] =	vst v63  }
0x1f: {  	s6 =	rddreg [dreg:$0x7];
	s7 =	simm.s32 $0x180;
	s8 =	simm.s32 $0x3D00  }
0x20: {  	[tilespmem:s8], [sflag:$0x1] =	stream.indirect.gather [hbm4b:s6+s0], $0x20, s7, s0, $0xb8;
	[tilespmem:$0x1BD00] =	vst v63  }
0x21: {  	s6 =	rddreg [dreg:$0x8];
	s7 =	simm.s32 $0x200;
	s8 =	simm.s32 $0x4D00  }
0x22: {  	[tilespmem:s8], [sflag:$0x1] =	stream.indirect.gather [hbm4b:s6+s0], $0x20, s7, s0, $0xb8;
	[tilespmem:$0x1BD00] =	vst v63  }
0x23: {  	s7 =	simm.s32 $0x280;
	s8 =	simm.s32 $0x5D00  }
0x24: {  	[tilespmem:s8], [sflag:$0x1] =	stream.indirect.gather [hbm4b:s9+s0], $0x20, s7, s0, $0xb8;
	[tilespmem:$0x1BD00] =	vst v63  }
0x25: {  	s7 =	simm.s32 $0x300;
	s8 =	simm.s32 $0x6D00  }
0x26: {  	[tilespmem:s8], [sflag:$0x1] =	stream.indirect.gather [hbm4b:s10+s0], $0x20, s7, s0, $0xb8;
	[tilespmem:$0x1BD00] =	vst v63  }
0x27: {  	s7 =	simm.s32 $0x380;
	s8 =	simm.s32 $0x7D00  }
0x28: {  	[tilespmem:s8], [sflag:$0x1] =	stream.indirect.gather [hbm4b:s11+s0], $0x20, s7, s0, $0xb8;
	[tilespmem:$0x1BD00] =	vst v63  }
0x29: {  	s7 =	simm.s32 $0x400;
	s8 =	simm.s32 $0x8D00  }
0x2a: {  	[tilespmem:s8], [sflag:$0x1] =	stream.indirect.gather [hbm4b:s12+s0], $0x20, s7, s0, $0xb8;
	[tilespmem:$0x1BD00] =	vst v63  }
0x2b: {  	s7 =	simm.s32 $0x480;
	s8 =	simm.s32 $0x9D00  }
0x2c: {  	[tilespmem:s8], [sflag:$0x1] =	stream.indirect.gather [hbm4b:s13+s0], $0x20, s7, s0, $0xb8;
	[tilespmem:$0x1BD00] =	vst v63  }
0x2d: {  	s7 =	simm.s32 $0x500;
	s8 =	simm.s32 $0xAD00  }
0x2e: {  	[tilespmem:s8], [sflag:$0x1] =	stream.indirect.gather [hbm4b:s14+s0], $0x20, s7, s0, $0xb8;
	[tilespmem:$0x1BD00] =	vst v63  }
0x2f: {  	s7 =	simm.s32 $0x580;
	s8 =	simm.s32 $0xBD00  }
0x30: {  	[tilespmem:s8], [sflag:$0x1] =	stream.indirect.gather [hbm4b:s15+s0], $0x20, s7, s0, $0xb8;
	[tilespmem:$0x1BD00] =	vst v63  }
0x31: {  	s7 =	simm.s32 $0x600;
	s8 =	simm.s32 $0xCD00  }
0x32: {  	[tilespmem:s8], [sflag:$0x1] =	stream.indirect.gather [hbm4b:s16+s0], $0x20, s7, s0, $0xb8;
	[tilespmem:$0x1BD00] =	vst v63  }
0x33: {  	s7 =	simm.s32 $0x680;
	s8 =	simm.s32 $0xDD00  }
0x34: {  	[tilespmem:s8], [sflag:$0x1] =	stream.indirect.gather [hbm4b:s17+s0], $0x20, s7, s0, $0xb8;
	[tilespmem:$0x1BD00] =	vst v63  }
0x35: {  	s7 =	simm.s32 $0x700;
	s8 =	simm.s32 $0xED00  }
0x36: {  	[tilespmem:s8], [sflag:$0x1] =	stream.indirect.gather [hbm4b:s18+s0], $0x20, s7, s0, $0xb8;
	[tilespmem:$0x1BD00] =	vst v63  }
0x37: {  	s7 =	simm.s32 $0x780;
	s8 =	simm.s32 $0xFD00  }
0x38: {  	[tilespmem:s8], [sflag:$0x1] =	stream.indirect.gather [hbm4b:s19+s0], $0x20, s7, s0, $0xb8;
	[tilespmem:$0x1BD00] =	vst v63  }
0x39: {  	s7 =	simm.s32 $0x800;
	s8 =	simm.s32 $0x10D00  }
0x3a: {  	[tilespmem:s8], [sflag:$0x1] =	stream.indirect.gather [hbm4b:s20+s0], $0x20, s7, s0, $0xb8;
	[tilespmem:$0x1BD00] =	vst v63  }
0x3b: {  	s7 =	simm.s32 $0x880;
	s8 =	simm.s32 $0x11D00  }
0x3c: {  	[tilespmem:s8], [sflag:$0x1] =	stream.indirect.gather [hbm4b:s21+s0], $0x20, s7, s0, $0xb8;
	[tilespmem:$0x1BD00] =	vst v63  }
0x3d: {  	s7 =	simm.s32 $0x900;
	s8 =	simm.s32 $0x12D00  }
0x3e: {  	[tilespmem:s8], [sflag:$0x1] =	stream.indirect.gather [hbm4b:s22+s0], $0x20, s7, s0, $0xb8;
	[tilespmem:$0x1BD00] =	vst v63  }
0x3f: {  	s7 =	simm.s32 $0x980;
	s8 =	simm.s32 $0x13D00  }
0x40: {  	[tilespmem:s8], [sflag:$0x1] =	stream.indirect.gather [hbm4b:s23+s0], $0x20, s7, s0, $0xb8;
	[tilespmem:$0x1BD00] =	vst v63  }
0x41: {  	s7 =	simm.s32 $0xA00;
	s8 =	simm.s32 $0x14D00  }
0x42: {  	[tilespmem:s8], [sflag:$0x1] =	stream.indirect.gather [hbm4b:s24+s0], $0x20, s7, s0, $0xb8;
	[tilespmem:$0x1BD00] =	vst v63  }
0x43: {  	s7 =	simm.s32 $0xA80;
	s8 =	simm.s32 $0x15D00  }
0x44: {  	[tilespmem:s8], [sflag:$0x1] =	stream.indirect.gather [hbm4b:s25+s0], $0x20, s7, s0, $0xb8;
	[tilespmem:$0x1BD00] =	vst v63  }
0x45: {  	s7 =	simm.s32 $0xB00;
	s8 =	simm.s32 $0x16D00  }
0x46: {  	[tilespmem:s8], [sflag:$0x1] =	stream.indirect.gather [hbm4b:s26+s0], $0x20, s7, s0, $0xb8;
	[tilespmem:$0x1BD00] =	vst v63  }
0x47: {  	s7 =	simm.s32 $0xB80;
	s8 =	simm.s32 $0x17D00  }
0x48: {  	[tilespmem:s8], [sflag:$0x1] =	stream.indirect.gather [hbm4b:s28+s0], $0x20, s7, s0, $0xb8;
	[tilespmem:$0x1BD00] =	vst v63  }
0x49: {  	s7 =	simm.s32 $0xC00;
	s8 =	simm.s32 $0x18D00  }
0x4a: {  	[tilespmem:s8], [sflag:$0x1] =	stream.indirect.gather [hbm4b:s30+s0], $0x20, s7, s0, $0xb8;
	[tilespmem:$0x1BD00] =	vst v63  }
0x4b: {  	s7 =	simm.s32 $0xC80;
	s8 =	simm.s32 $0x19D00  }
0x4c: {  	[tilespmem:s8], [sflag:$0x1] =	stream.indirect.gather [hbm4b:s31+s0], $0x20, s7, s0, $0xb8;
	[tilespmem:$0x1BD00] =	vst v63  }
0x4d: {  	_ =	swait.ge [sflag:s4], $0x1000  }
0x4e: {  	[sflag:s4] =	ssyncset.done $0x0  }
0x4f: {  	[sflag:s4] =	ssyncadd.s32 $0xFFFFF000  }
0x50: {  	_ =	swait.ge [sflag:s4], $0x1000  }
0x51: {  	[sflag:s4] =	ssyncset.done $0x0  }
0x52: {  	[sflag:s4] =	ssyncadd.s32 $0xFFFFF000  }
0x53: {  	_ =	swait.ge [sflag:s4], $0x1000  }
0x54: {  	[sflag:s4] =	ssyncset.done $0x0  }
0x55: {  	[sflag:s4] =	ssyncadd.s32 $0xFFFFF000  }
0x56: {  	_ =	swait.ge [sflag:s4], $0x1000  }
0x57: {  	[sflag:s4] =	ssyncset.done $0x0  }
0x58: {  	[sflag:s4] =	ssyncadd.s32 $0xFFFFF000  }
0x59: {  	_ =	swait.ge [sflag:s4], $0x1000  }
0x5a: {  	[sflag:s4] =	ssyncset.done $0x0  }
0x5b: {  	[sflag:s4] =	ssyncadd.s32 $0xFFFFF000  }
0x5c: {  	_ =	swait.ge [sflag:s4], $0x1000  }
0x5d: {  	[sflag:s4] =	ssyncset.done $0x0  }
0x5e: {  	[sflag:s4] =	ssyncadd.s32 $0xFFFFF000  }
0x5f: {  	_ =	swait.ge [sflag:s4], $0x1000  }
0x60: {  	[sflag:s4] =	ssyncset.done $0x0  }
0x61: {  	[sflag:s4] =	ssyncadd.s32 $0xFFFFF000  }
0x62: {  	_ =	swait.ge [sflag:s4], $0x1000  }
0x63: {  	[sflag:s4] =	ssyncset.done $0x0  }
0x64: {  	[sflag:s4] =	ssyncadd.s32 $0xFFFFF000  }
0x65: {  	_ =	swait.ge [sflag:s4], $0x1000  }
0x66: {  	[sflag:s4] =	ssyncset.done $0x0  }
0x67: {  	[sflag:s4] =	ssyncadd.s32 $0xFFFFF000  }
0x68: {  	_ =	swait.ge [sflag:s4], $0x1000  }
0x69: {  	[sflag:s4] =	ssyncset.done $0x0  }
0x6a: {  	[sflag:s4] =	ssyncadd.s32 $0xFFFFF000  }
0x6b: {  	_ =	swait.ge [sflag:s4], $0x1000  }
0x6c: {  	[sflag:s4] =	ssyncset.done $0x0  }
0x6d: {  	[sflag:s4] =	ssyncadd.s32 $0xFFFFF000  }
0x6e: {  	_ =	swait.ge [sflag:s4], $0x1000  }
0x6f: {  	[sflag:s4] =	ssyncset.done $0x0  }
0x70: {  	[sflag:s4] =	ssyncadd.s32 $0xFFFFF000  }
0x71: {  	_ =	swait.ge [sflag:s4], $0x1000  }
0x72: {  	[sflag:s4] =	ssyncset.done $0x0  }
0x73: {  	[sflag:s4] =	ssyncadd.s32 $0xFFFFF000  }
0x74: {  	_ =	swait.ge [sflag:s4], $0x1000  }
0x75: {  	[sflag:s4] =	ssyncset.done $0x0  }
0x76: {  	[sflag:s4] =	ssyncadd.s32 $0xFFFFF000  }
0x77: {  	_ =	swait.ge [sflag:s4], $0x1000  }
0x78: {  	[sflag:s4] =	ssyncset.done $0x0  }
0x79: {  	[sflag:s4] =	ssyncadd.s32 $0xFFFFF000  }
0x7a: {  	_ =	swait.ge [sflag:s4], $0x1000  }
0x7b: {  	[sflag:s4] =	ssyncset.done $0x0  }
0x7c: {  	[sflag:s4] =	ssyncadd.s32 $0xFFFFF000  }
0x7d: {  	_ =	swait.ge [sflag:s4], $0x1000  }
0x7e: {  	[sflag:s4] =	ssyncset.done $0x0  }
0x7f: {  	[sflag:s4] =	ssyncadd.s32 $0xFFFFF000  }
0x80: {  	_ =	swait.ge [sflag:s4], $0x1000  }
0x81: {  	[sflag:s4] =	ssyncset.done $0x0  }
0x82: {  	[sflag:s4] =	ssyncadd.s32 $0xFFFFF000  }
0x83: {  	_ =	swait.ge [sflag:s4], $0x1000  }
0x84: {  	[sflag:s4] =	ssyncset.done $0x0  }
0x85: {  	[sflag:s4] =	ssyncadd.s32 $0xFFFFF000  }
0x86: {  	_ =	swait.ge [sflag:s4], $0x1000  }
0x87: {  	[sflag:s4] =	ssyncset.done $0x0  }
0x88: {  	[sflag:s4] =	ssyncadd.s32 $0xFFFFF000  }
0x89: {  	_ =	swait.ge [sflag:s4], $0x1000  }
0x8a: {  	[sflag:s4] =	ssyncset.done $0x0  }
0x8b: {  	[sflag:s4] =	ssyncadd.s32 $0xFFFFF000  }
0x8c: {  	_ =	swait.ge [sflag:s4], $0x1000  }
0x8d: {  	[sflag:s4] =	ssyncset.done $0x0  }
0x8e: {  	[sflag:s4] =	ssyncadd.s32 $0xFFFFF000  }
0x8f: {  	_ =	swait.ge [sflag:s4], $0x1000  }
0x90: {  	[sflag:s4] =	ssyncset.done $0x0  }
0x91: {  	[sflag:s4] =	ssyncadd.s32 $0xFFFFF000  }
0x92: {  	_ =	swait.ge [sflag:s4], $0x1000  }
0x93: {  	[sflag:s4] =	ssyncset.done $0x0  }
0x94: {  	[sflag:s4] =	ssyncadd.s32 $0xFFFFF000  }
0x95: {  	_ =	swait.ge [sflag:s4], $0x1000  }
0x96: {  	[sflag:s4] =	ssyncset.done $0x0  }
0x97: {  	[sflag:s4] =	ssyncadd.s32 $0xFFFFF000  }
0x98: {  	_ =	swait.ge [sflag:s4], $0x1000  }
0x99: {  	[sflag:s4] =	ssyncset.done $0x0  }
0x9a: {  	s6 =	simm.s32 $0x0;
	[sflag:s4] =	ssyncadd.s32 $0xFFFFF000  }
0x9b: {  	v0 =	vld [tilespmem:s6+$0xD10]  }
0x9c: {  	v1 =	vld [tilespmem:s6+$0x1D10]  }
0x9d: {  	v2 =	vld [tilespmem:s6+$0xD00]  }
0x9e: {  	v3 =	vld [tilespmem:s6+$0x2D10]  }
0x9f: {  	v4 =	vld [tilespmem:s6+$0x1D00]  }
0xa0: {  	v5 =	vld [tilespmem:s6+$0x3D10]  }
0xa1: {  	v6 =	vld [tilespmem:s6+$0x2D00];
	v0 =	vadd.f32 v1, v0  }
0xa2: {  	v1 =	vld [tilespmem:s6+$0x4D10]  }
0xa3: {  	v7 =	vld [tilespmem:s6+$0x3D00];
	v0 =	vadd.f32 v3, v0  }
0xa4: {  	v2 =	vadd.f32 v4, v2;
	v3 =	vld [tilespmem:s6+$0x5D10]  }
0xa5: {  	v4 =	vld [tilespmem:s6+$0x4D00];
	v0 =	vadd.f32 v5, v0  }
0xa6: {  	v2 =	vadd.f32 v6, v2;
	v5 =	vld [tilespmem:s6+$0x6D10]  }
0xa7: {  	v6 =	vld [tilespmem:s6+$0x5D00];
	v0 =	vadd.f32 v1, v0  }
0xa8: {  	v2 =	vadd.f32 v7, v2;
	v1 =	vld [tilespmem:s6+$0x7D10]  }
0xa9: {  	v7 =	vld [tilespmem:s6+$0x6D00];
	v0 =	vadd.f32 v3, v0  }
0xaa: {  	v2 =	vadd.f32 v4, v2;
	v3 =	vld [tilespmem:s6+$0x8D10]  }
0xab: {  	v4 =	vld [tilespmem:s6+$0x7D00];
	v0 =	vadd.f32 v5, v0  }
0xac: {  	v2 =	vadd.f32 v6, v2;
	v5 =	vld [tilespmem:s6+$0x9D10]  }
0xad: {  	v6 =	vld [tilespmem:s6+$0x8D00];
	v0 =	vadd.f32 v1, v0  }
0xae: {  	v2 =	vadd.f32 v7, v2;
	v1 =	vld [tilespmem:s6+$0xAD10]  }
0xaf: {  	v7 =	vld [tilespmem:s6+$0x9D00];
	v0 =	vadd.f32 v3, v0  }
0xb0: {  	v2 =	vadd.f32 v4, v2;
	v3 =	vld [tilespmem:s6+$0xBD10]  }
0xb1: {  	v4 =	vld [tilespmem:s6+$0xAD00];
	v0 =	vadd.f32 v5, v0  }
0xb2: {  	v2 =	vadd.f32 v6, v2;
	v5 =	vld [tilespmem:s6+$0xCD10]  }
0xb3: {  	v6 =	vld [tilespmem:s6+$0xBD00];
	v0 =	vadd.f32 v1, v0  }
0xb4: {  	v2 =	vadd.f32 v7, v2;
	v1 =	vld [tilespmem:s6+$0xDD10]  }
0xb5: {  	v7 =	vld [tilespmem:s6+$0xCD00];
	v0 =	vadd.f32 v3, v0  }
0xb6: {  	v2 =	vadd.f32 v4, v2;
	v3 =	vld [tilespmem:s6+$0xED10]  }
0xb7: {  	v4 =	vld [tilespmem:s6+$0xDD00];
	v0 =	vadd.f32 v5, v0  }
0xb8: {  	v2 =	vadd.f32 v6, v2;
	v5 =	vld [tilespmem:s6+$0xFD10]  }
0xb9: {  	v6 =	vld [tilespmem:s6+$0xED00];
	v0 =	vadd.f32 v1, v0  }
0xba: {  	v2 =	vadd.f32 v7, v2;
	v1 =	vld [tilespmem:s6+$0x10D10]  }
0xbb: {  	v7 =	vld [tilespmem:s6+$0xFD00];
	v0 =	vadd.f32 v3, v0  }
0xbc: {  	v2 =	vadd.f32 v4, v2;
	v3 =	vld [tilespmem:s6+$0x11D10]  }
0xbd: {  	v4 =	vld [tilespmem:s6+$0x10D00];
	v0 =	vadd.f32 v5, v0  }
0xbe: {  	v2 =	vadd.f32 v6, v2;
	v5 =	vld [tilespmem:s6+$0x12D10]  }
0xbf: {  	v6 =	vld [tilespmem:s6+$0x11D00];
	v0 =	vadd.f32 v1, v0  }
0xc0: {  	v2 =	vadd.f32 v7, v2;
	v1 =	vld [tilespmem:s6+$0x13D10]  }
0xc1: {  	v7 =	vld [tilespmem:s6+$0x12D00];
	v0 =	vadd.f32 v3, v0  }
0xc2: {  	v2 =	vadd.f32 v4, v2;
	v3 =	vld [tilespmem:s6+$0x14D10]  }
0xc3: {  	v4 =	vld [tilespmem:s6+$0x13D00];
	v0 =	vadd.f32 v5, v0  }
0xc4: {  	v2 =	vadd.f32 v6, v2;
	v5 =	vld [tilespmem:s6+$0x15D10]  }
0xc5: {  	v6 =	vld [tilespmem:s6+$0x14D00];
	v0 =	vadd.f32 v1, v0  }
0xc6: {  	v2 =	vadd.f32 v7, v2;
	v1 =	vld [tilespmem:s6+$0x16D10]  }
0xc7: {  	v7 =	vld [tilespmem:s6+$0x15D00];
	v0 =	vadd.f32 v3, v0  }
0xc8: {  	v8 =	vld [tilespmem:s6+$0x17D10];
	v2 =	vadd.f32 v4, v2  }
0xc9: {  	v9 =	vld [tilespmem:s6+$0x16D00];
	v0 =	vadd.f32 v5, v0  }
0xca: {  	v10 =	vld [tilespmem:s6+$0x18D10];
	v3 =	vadd.f32 v6, v2  }
0xcb: {  	v2 =	vld [tilespmem:s6+$0x17D00];
	v0 =	vadd.f32 v1, v0  }
0xcc: {  	v4 =	vld [tilespmem:s6+$0x19D10];
	v5 =	vadd.f32 v7, v3  }
0xcd: {  	v3 =	vld [tilespmem:s6+$0x18D00];
	v6 =	vadd.f32 v8, v0  }
0xce: {  	s8 =	simm.s32 $0x20;
	v1 =	vld [tilespmem:s6+$0x19D00];
	v5 =	vadd.f32 v9, v5  }
0xcf: {  	s7 =	simm.s32 $0x100;
	v0 =	vld [tilespmem:s8+$0xD10];
	v6 =	vadd.f32 v10, v6  }
.LBB2_2:
0xd0: {  	p0 =	sne.s32 s7, $0x3F80;
	v7 =	vld [tilespmem:s8+$0x1D10];
	v2 =	vadd.f32 v2, v5  }
0xd1: {  	v5 =	vld [tilespmem:s8+$0xD00];
	v4 =	vadd.f32 v4, v6  }
0xd2: {  	v6 =	vld [tilespmem:s8+$0x2D10];
	v2 =	vadd.f32 v3, v2  }
0xd3: {  	v3 =	vld [tilespmem:s8+$0x1D00];
	[tilespmem:s6+$0x1AD10] =	vst v4  }
0xd4: {  	v4 =	vld [tilespmem:s8+$0x3D10];
	v1 =	vadd.f32 v1, v2  }
0xd5: {  	v2 =	vld [tilespmem:s8+$0x2D00];
	v0 =	vadd.f32 v7, v0  }
0xd6: {  	v7 =	vld [tilespmem:s8+$0x4D10];
	[tilespmem:s6+$0x1AD00] =	vst v1;
	s6 =	smov.u32 s8  }
0xd7: {  	v1 =	vld [tilespmem:s6+$0x3D00];
	v0 =	vadd.f32 v6, v0  }
0xd8: {  	v3 =	vadd.f32 v3, v5;
	v5 =	vld [tilespmem:s6+$0x5D10]  }
0xd9: {  	v6 =	vld [tilespmem:s6+$0x4D00];
	v0 =	vadd.f32 v4, v0  }
0xda: {  	v2 =	vadd.f32 v2, v3;
	v3 =	vld [tilespmem:s6+$0x6D10]  }
0xdb: {  	v4 =	vld [tilespmem:s6+$0x5D00];
	v0 =	vadd.f32 v7, v0  }
0xdc: {  	v1 =	vadd.f32 v1, v2;
	v2 =	vld [tilespmem:s6+$0x7D10]  }
0xdd: {  	v7 =	vld [tilespmem:s6+$0x6D00];
	v0 =	vadd.f32 v5, v0  }
0xde: {  	v1 =	vadd.f32 v6, v1;
	v5 =	vld [tilespmem:s6+$0x8D10]  }
0xdf: {  	v6 =	vld [tilespmem:s6+$0x7D00];
	v0 =	vadd.f32 v3, v0  }
0xe0: {  	v1 =	vadd.f32 v4, v1;
	v3 =	vld [tilespmem:s6+$0x9D10]  }
0xe1: {  	v4 =	vld [tilespmem:s6+$0x8D00];
	v0 =	vadd.f32 v2, v0  }
0xe2: {  	v1 =	vadd.f32 v7, v1;
	v2 =	vld [tilespmem:s6+$0xAD10]  }
0xe3: {  	v7 =	vld [tilespmem:s6+$0x9D00];
	v0 =	vadd.f32 v5, v0  }
0xe4: {  	v1 =	vadd.f32 v6, v1;
	v5 =	vld [tilespmem:s6+$0xBD10]  }
0xe5: {  	v6 =	vld [tilespmem:s6+$0xAD00];
	v0 =	vadd.f32 v3, v0  }
0xe6: {  	v1 =	vadd.f32 v4, v1;
	v3 =	vld [tilespmem:s6+$0xCD10]  }
0xe7: {  	v4 =	vld [tilespmem:s6+$0xBD00];
	v0 =	vadd.f32 v2, v0  }
0xe8: {  	v1 =	vadd.f32 v7, v1;
	v2 =	vld [tilespmem:s6+$0xDD10]  }
0xe9: {  	v7 =	vld [tilespmem:s6+$0xCD00];
	v0 =	vadd.f32 v5, v0  }
0xea: {  	v1 =	vadd.f32 v6, v1;
	v5 =	vld [tilespmem:s6+$0xED10]  }
0xeb: {  	v6 =	vld [tilespmem:s6+$0xDD00];
	v0 =	vadd.f32 v3, v0  }
0xec: {  	v1 =	vadd.f32 v4, v1;
	v3 =	vld [tilespmem:s6+$0xFD10]  }
0xed: {  	v4 =	vld [tilespmem:s6+$0xED00];
	v0 =	vadd.f32 v2, v0  }
0xee: {  	v1 =	vadd.f32 v7, v1;
	v2 =	vld [tilespmem:s6+$0x10D10]  }
0xef: {  	v7 =	vld [tilespmem:s6+$0xFD00];
	v0 =	vadd.f32 v5, v0  }
0xf0: {  	v1 =	vadd.f32 v6, v1;
	v5 =	vld [tilespmem:s6+$0x11D10]  }
0xf1: {  	v6 =	vld [tilespmem:s6+$0x10D00];
	v0 =	vadd.f32 v3, v0  }
0xf2: {  	v1 =	vadd.f32 v4, v1;
	v3 =	vld [tilespmem:s6+$0x12D10]  }
0xf3: {  	v4 =	vld [tilespmem:s6+$0x11D00];
	v0 =	vadd.f32 v2, v0  }
0xf4: {  	v1 =	vadd.f32 v7, v1;
	v2 =	vld [tilespmem:s6+$0x13D10]  }
0xf5: {  	v7 =	vld [tilespmem:s6+$0x12D00];
	v0 =	vadd.f32 v5, v0  }
0xf6: {  	v1 =	vadd.f32 v6, v1;
	v5 =	vld [tilespmem:s6+$0x14D10]  }
0xf7: {  	v6 =	vld [tilespmem:s6+$0x13D00];
	v0 =	vadd.f32 v3, v0  }
0xf8: {  	v1 =	vadd.f32 v4, v1;
	v3 =	vld [tilespmem:s6+$0x15D10]  }
0xf9: {  	v4 =	vld [tilespmem:s6+$0x14D00];
	v0 =	vadd.f32 v2, v0  }
0xfa: {  	v1 =	vadd.f32 v7, v1;
	v7 =	vld [tilespmem:s6+$0x16D10]  }
0xfb: {  	v8 =	vld [tilespmem:s6+$0x15D00];
	v0 =	vadd.f32 v5, v0  }
0xfc: {  	v1 =	vadd.f32 v6, v1;
	v5 =	vld [tilespmem:s6+$0x17D10]  }
0xfd: {  	v6 =	vld [tilespmem:s6+$0x16D00];
	v0 =	vadd.f32 v3, v0  }
0xfe: {  	v1 =	vadd.f32 v4, v1;
	v9 =	vld [tilespmem:s6+$0x18D10]  }
.Ltmp0:
0xff: {  	v2 =	vld [tilespmem:s6+$0x17D00];
	v0 =	vadd.f32 v7, v0;
	(pc) =	sbr.rel @p0 .LBB2_2-.Ltmp0, $4  }
0x100: {  	v1 =	vadd.f32 v8, v1;
	v4 =	vld [tilespmem:s6+$0x19D10]  }
0x101: {  	v3 =	vld [tilespmem:s6+$0x18D00];
	v7 =	vadd.f32 v5, v0  }
0x102: {  	s8 =	sshra.s32 s7, $0x2;
	v5 =	vadd.f32 v6, v1;
	v1 =	vld [tilespmem:s6+$0x19D00]  }
0x103: {  	s7 =	sadd.s32 $0x80, s7;
	v0 =	vld [tilespmem:s8+$0xD10];
	v6 =	vadd.f32 v9, v7  }
0x104: {  	v7 =	vld [tilespmem:s8+$0x1D10];
	v2 =	vadd.f32 v2, v5  }
0x105: {  	v8 =	vld [tilespmem:s8+$0xD00];
	v4 =	vadd.f32 v4, v6  }
0x106: {  	v17 =	vld [tilespmem:s8+$0x2D10];
	v2 =	vadd.f32 v3, v2  }
0x107: {  	v18 =	vld [tilespmem:s8+$0x1D00];
	[tilespmem:s6+$0x1AD10] =	vst v4  }
0x108: {  	v19 =	vld [tilespmem:s8+$0x3D10];
	v1 =	vadd.f32 v1, v2  }
0x109: {  	v20 =	vld [tilespmem:s8+$0x2D00]  }
0x10a: {  	v4 =	vld [tilespmem:s8+$0x4D10];
	[tilespmem:s6+$0x1AD00] =	vst v1  }
0x10b: {  	v0 =	vadd.f32 v7, v0;
	v1 =	vld [tilespmem:s8+$0x3D00]  }
0x10c: {  	v6 =	vadd.f32 v18, v8  }
0x10d: {  	v0 =	vadd.f32 v17, v0;
	v21 =	vld [tilespmem:s8+$0x4D00]  }
0x10e: {  	v22 =	vld [tilespmem:s8+$0x5D10];
	v2 =	vadd.f32 v20, v6  }
0x10f: {  	v23 =	vld [tilespmem:s8+$0x5D00];
	v0 =	vadd.f32 v19, v0  }
0x110: {  	v24 =	vld [tilespmem:s8+$0x6D10];
	v1 =	vadd.f32 v1, v2  }
0x111: {  	v25 =	vld [tilespmem:s8+$0x6D00];
	v0 =	vadd.f32 v4, v0  }
0x112: {  	v26 =	vld [tilespmem:s8+$0x7D10];
	v1 =	vadd.f32 v21, v1  }
0x113: {  	v27 =	vld [tilespmem:s8+$0x7D00];
	v0 =	vadd.f32 v22, v0  }
0x114: {  	v28 =	vld [tilespmem:s8+$0x8D10];
	v1 =	vadd.f32 v23, v1  }
0x115: {  	v29 =	vld [tilespmem:s8+$0x8D00];
	v0 =	vadd.f32 v24, v0  }
0x116: {  	v30 =	vld [tilespmem:s8+$0x9D10];
	v1 =	vadd.f32 v25, v1  }
0x117: {  	v31 =	vld [tilespmem:s8+$0x9D00];
	v0 =	vadd.f32 v26, v0  }
0x118: {  	v32 =	vld [tilespmem:s8+$0xAD10];
	v1 =	vadd.f32 v27, v1  }
0x119: {  	v33 =	vld [tilespmem:s8+$0xAD00];
	v0 =	vadd.f32 v28, v0  }
0x11a: {  	v34 =	vld [tilespmem:s8+$0xBD10];
	v1 =	vadd.f32 v29, v1  }
0x11b: {  	v35 =	vld [tilespmem:s8+$0xBD00];
	v0 =	vadd.f32 v30, v0  }
0x11c: {  	v36 =	vld [tilespmem:s8+$0xCD10];
	v1 =	vadd.f32 v31, v1  }
0x11d: {  	v37 =	vld [tilespmem:s8+$0xCD00];
	v0 =	vadd.f32 v32, v0  }
0x11e: {  	v38 =	vld [tilespmem:s8+$0xDD10];
	v1 =	vadd.f32 v33, v1  }
0x11f: {  	v39 =	vld [tilespmem:s8+$0xDD00];
	v0 =	vadd.f32 v34, v0  }
0x120: {  	v40 =	vld [tilespmem:s8+$0xED10];
	v1 =	vadd.f32 v35, v1  }
0x121: {  	v41 =	vld [tilespmem:s8+$0xED00];
	v0 =	vadd.f32 v36, v0  }
0x122: {  	v42 =	vld [tilespmem:s8+$0xFD10];
	v1 =	vadd.f32 v37, v1  }
0x123: {  	v43 =	vld [tilespmem:s8+$0xFD00];
	v0 =	vadd.f32 v38, v0  }
0x124: {  	v44 =	vld [tilespmem:s8+$0x10D10];
	v1 =	vadd.f32 v39, v1  }
0x125: {  	v45 =	vld [tilespmem:s8+$0x10D00];
	v0 =	vadd.f32 v40, v0  }
0x126: {  	v46 =	vld [tilespmem:s8+$0x11D10];
	v1 =	vadd.f32 v41, v1  }
0x127: {  	v47 =	vld [tilespmem:s8+$0x11D00];
	v0 =	vadd.f32 v42, v0  }
0x128: {  	v48 =	vld [tilespmem:s8+$0x12D10];
	v1 =	vadd.f32 v43, v1  }
0x129: {  	v49 =	vld [tilespmem:s8+$0x12D00];
	v0 =	vadd.f32 v44, v0  }
0x12a: {  	v50 =	vld [tilespmem:s8+$0x13D10];
	v1 =	vadd.f32 v45, v1  }
0x12b: {  	v51 =	vld [tilespmem:s8+$0x13D00];
	v0 =	vadd.f32 v46, v0  }
0x12c: {  	v52 =	vld [tilespmem:s8+$0x14D10];
	v1 =	vadd.f32 v47, v1  }
0x12d: {  	v53 =	vld [tilespmem:s8+$0x14D00];
	v0 =	vadd.f32 v48, v0  }
0x12e: {  	v54 =	vld [tilespmem:s8+$0x15D10];
	v1 =	vadd.f32 v49, v1  }
0x12f: {  	v55 =	vld [tilespmem:s8+$0x15D00];
	v0 =	vadd.f32 v50, v0  }
0x130: {  	v56 =	vld [tilespmem:s8+$0x16D10];
	v1 =	vadd.f32 v51, v1  }
0x131: {  	v57 =	vld [tilespmem:s8+$0x16D00];
	v0 =	vadd.f32 v52, v0  }
0x132: {  	v58 =	vld [tilespmem:s8+$0x17D10];
	v1 =	vadd.f32 v53, v1  }
0x133: {  	v59 =	vld [tilespmem:s8+$0x17D00];
	v0 =	vadd.f32 v54, v0  }
0x134: {  	v60 =	vld [tilespmem:s8+$0x18D10];
	v1 =	vadd.f32 v55, v1  }
0x135: {  	v61 =	vld [tilespmem:s8+$0x18D00];
	v0 =	vadd.f32 v56, v0  }
0x136: {  	v62 =	vld [tilespmem:s8+$0x19D10];
	v1 =	vadd.f32 v57, v1  }
0x137: {  	v63 =	vld [tilespmem:s8+$0x19D00];
	v0 =	vadd.f32 v58, v0  }
0x138: {  	v1 =	vadd.f32 v59, v1  }
0x139: {  	v0 =	vadd.f32 v60, v0  }
0x13a: {  	v1 =	vadd.f32 v61, v1  }
0x13b: {  	v0 =	vadd.f32 v62, v0  }
0x13c: {  	s5 =	sadd.s32 $0x1, s5;
	v1 =	vadd.f32 v63, v1  }
0x13d: {  	p0 =	sne.s32 s5, s1;
	[tilespmem:s8+$0x1AD10] =	vst v0  }
.Ltmp1:
0x13e: {  	[tilespmem:s8+$0x1AD00] =	vst v1;
	s8 =	simm.s32 $0x1AD00;
	(pc) =	sbr.rel @p0 .LBB2_1-.Ltmp1, $4  }
0x13f: {  	[hbm4b:s29+s2] =	stream.linear.scatter [tilespmem:s8], [sflag:$0x2], $0x1000, $0x38;
	[tilespmem:$0x1BD00] =	vst v63  }
0x140: {  	_ =	swait.ge [sflag:s3], $0x1000  }
0x141: {  	[sflag:s3] =	ssyncset.done $0x0  }
0x142: {  	[sflag:s3] =	ssyncadd.s32 $0xFFFFF000  }
0x143: {  	_ =	sfence.sel $0x180000  }
0x144: {  	[bflag:$0x0] =	sbarrier.arrive $0xFFFF  }
0x145: {  	_ =	strace $0x90000047  }
0x146: {  	s0 =	stileid.u32;
	[bflag:$0x2] =	sbarrier.arrive $0xFFFF  }
0x147: {  	p0 =	sne.s32 s0, $0x0;
	s0 =	rddreg [dreg:$0x2]  }
0x148: {  	s0 =	sadd.s32 @!p0 $0x100000, s0  }
0x149: {  	[sflag:s0] =	ssyncadd.tile.s32 @!p0 $0x1;
	_ =	shalt  }
.Lfunc_end2:
_tile_overlayer_lowered:
.L_overlay_start_2:
0x14a: {  	(tag) =	ssettag $0x2  }
0x14b: {  	s0 =	rddreg [dreg:$0x0];
	s2 =	stileid.u32  }
0x14c: {  	s1 =	rddreg [dreg:$0x1];
	p0 =	sne.s32 s2, $0x0  }
0x14d: {  	s3 =	rddreg [dreg:$0x2];
	[bflag:$0x3] =	sbarrier.arrive $0xFFFF;
	s2 =	simm.s32 @!p0 $0x1C02  }
0x14e: {  	[timem:s3], [sflag:s2] =	dma.local @!p0 [hbm:s0], s1  }
0x14f: {  	s0 =	simm.s32 @!p0 $0x2  }
0x150: {  	_ =	swait.ge @!p0 [sflag:s0], s1  }
0x151: {  	s1 =	ssub.s32 @!p0 $0x0, s1;
	[sflag:s0] =	ssyncset.done @!p0 $0x0  }
0x152: {  	[sflag:s0] =	ssyncadd.s32 @!p0 s1  }
0x153: {  	[bflag:$0x3] =	sbarrier.arrive $0xFFFF  }
0x154: {  	_ =	shalt  }

</sc_bundles>
